<compile_context>
chip_gen: v7x
topology: tpu7x:2x2x1
jax: 0.10.2.dev20260603
libtpu: 0.0.44.dev20260713+nightly
codegen_flags: <defaults>
</compile_context>

<pallas_src>
import functools

import numpy as np
import jax
import jax.numpy as jnp
from jax import lax
from jax.experimental import pallas as pl
from jax.experimental.pallas import tpu as pltpu
from jax.experimental.pallas import tpu_sc as plsc

_NBINS = 30
_VMIN = -6.0
_VMAX = 6.0
_BW = abs((_VMAX - _VMIN) / (_NBINS - 2))

_INV = np.float32(1.0 / _BW)
_CC = np.float32(-_VMIN / _BW + 1.0)

_S64 = []
_start = _VMIN
for _ in range(_NBINS - 1):
    _S64.append(_start)
    _start = _start + _BW
_S32 = np.asarray(_S64, dtype=np.float32)

_N = 1024
_M = 65536
_NC = 2
_NS = 16
_NW = _NC * _NS
_CHUNK = 16384
_CHUNKS_PER_ROW = _M // _CHUNK
_UNROLL = 8
_LANES = 16
_HSLOTS = 32
_LSTRIDE = 33
_GUARD = 32
_HISTN = _GUARD + _LANES * _LSTRIDE + _LANES + 128

_TC_ROWS = 256

_mesh = plsc.VectorSubcoreMesh(core_axis_name="c", subcore_axis_name="s")


@functools.cache
def _make_sc_hist(row0, nrows):
    rows_per_w = nrows // _NW
    tot_chunks = rows_per_w * _CHUNKS_PER_ROW

    @functools.partial(
        pl.kernel,
        out_type=jax.ShapeDtypeStruct((nrows * _HSLOTS,), jnp.float32),
        mesh=_mesh,
        scratch_types=[
            pltpu.VMEM((_CHUNK,), jnp.float32),
            pltpu.VMEM((_CHUNK,), jnp.float32),
            pltpu.VMEM((_HISTN,), jnp.float32),
            pltpu.VMEM((rows_per_w * _HSLOTS,), jnp.float32),
            pltpu.SemaphoreType.DMA,
            pltpu.SemaphoreType.DMA,
        ],
        compiler_params=pltpu.CompilerParams(needs_layout_passes=False),
    )
    def _sc_hist(x_hbm, out_hbm, buf0, buf1, hist, outb, sem0, sem1):
        cid = lax.axis_index("c")
        sid = lax.axis_index("s")
        wid = sid * _NC + cid
        base_row = row0 + wid * rows_per_w

        lanebf = (lax.iota(jnp.int32, 16).astype(jnp.float32)
                  * float(_LSTRIDE) + float(_GUARD))
        ccv = lanebf + _CC
        ones = jnp.full((16,), 1.0, dtype=jnp.float32)
        zeros16 = jnp.zeros((16,), dtype=jnp.float32)
        sems = [sem0, sem1]
        bufs = [buf0, buf1]

        def copy_chunk(c, slot):
            r = c // _CHUNKS_PER_ROW
            col = (c % _CHUNKS_PER_ROW) * _CHUNK
            return pltpu.make_async_copy(
                x_hbm.at[base_row + r, pl.ds(col, _CHUNK)],
                bufs[slot], sems[slot]
            )

        def reset_hist():
            for i in range(_HISTN // _LANES):
                hist[pl.ds(i * _LANES, _LANES)] = zeros16

        li = lax.iota(jnp.int32, 16)
        cmap_lo = jnp.where(li == 0, 0, li + 1)
        cmap_hi = jnp.where(li == 13, 1,
                            jnp.where(li >= 14, li + 16, li + 17))

        def flush_row(r):
            lo = zeros16
            hi = zeros16
            for l in range(_LANES):
                lo = lo + hist[pl.ds(_GUARD + l * _LSTRIDE, _LANES)]
                hi = hi + hist[pl.ds(_GUARD + l * _LSTRIDE + _LANES,
                                     _LANES)]
            base = r * _HSLOTS
            plsc.store_scatter(outb, [cmap_lo + base], lo)
            plsc.store_scatter(outb, [cmap_hi + base], hi)

        def process(slot):
            bref = bufs[slot]

            @plsc.parallel_loop(0, _CHUNK // _LANES, 1, unroll=_UNROLL)
            def _vec_body(i):
                xv = bref[pl.ds(i * _LANES, _LANES)]
                uu = xv * _INV + ccv
                addr = uu.astype(jnp.int32)
                plsc.addupdate_scatter(hist, [addr], ones)

        copy_chunk(0, 0).start()

        def pair_body(p, carry):
            c0 = p * 2
            c1 = c0 + 1

            copy_chunk(c1, 1).start()

            @pl.when(c0 % _CHUNKS_PER_ROW == 0)
            def _():
                reset_hist()

            copy_chunk(c0, 0).wait()
            process(0)

            @pl.when(p + 1 < tot_chunks // 2)
            def _():
                copy_chunk(c0 + 2, 0).start()

            copy_chunk(c1, 1).wait()
            process(1)

            @pl.when(c1 % _CHUNKS_PER_ROW == _CHUNKS_PER_ROW - 1)
            def _():
                flush_row(c1 // _CHUNKS_PER_ROW)

            return carry

        lax.fori_loop(0, tot_chunks // 2, pair_body, 0)

        pltpu.sync_copy(
            outb,
            out_hbm.at[pl.ds(wid * rows_per_w * _HSLOTS,
                             rows_per_w * _HSLOTS)],
        )

    return _sc_hist


def _tc_body(x_ref, o_ref, acc_ref, *, n_j):
    j = pl.program_id(1)

    @pl.when(j == 0)
    def _init():
        acc_ref[...] = jnp.zeros_like(acc_ref)

    x = x_ref[...]
    parts = [jnp.sum((x < np.float32(_VMIN)).astype(jnp.float32), axis=1)]
    for k in range(29):
        parts.append(jnp.sum((x >= _S32[k]).astype(jnp.float32), axis=1))
    acc_ref[...] += jnp.stack(parts, axis=1)

    @pl.when(j == n_j - 1)
    def _finalize():
        a = acc_ref[...]
        cols = [a[:, 0], a[:, 29]]
        for i in range(28):
            cols.append(a[:, 1 + i] - a[:, 2 + i])
        o_ref[...] = jnp.stack(cols, axis=1)


def _tc_hist(x, nrows):
    br = 256
    bc = 4096
    n_i, n_j = nrows // br, _M // bc
    return pl.pallas_call(
        functools.partial(_tc_body, n_j=n_j),
        grid=(n_i, n_j),
        in_specs=[pl.BlockSpec((br, bc), lambda i, j: (i, j))],
        out_specs=pl.BlockSpec((br, _NBINS), lambda i, j: (i, 0)),
        out_shape=jax.ShapeDtypeStruct((nrows, _NBINS), jnp.float32),
        scratch_shapes=[pltpu.VMEM((br, _NBINS), jnp.float32)],
        compiler_params=pltpu.CompilerParams(
            dimension_semantics=("parallel", "arbitrary"),
        ),
    )(x)


def kernel(x):
    sc_rows = _N - _TC_ROWS
    if sc_rows == 0:
        return _tc_hist(x, _N)
    raw = _make_sc_hist(_TC_ROWS, sc_rows)(x)
    sc_out = raw.reshape(sc_rows, _HSLOTS)[:, :_NBINS]
    tc_out = _tc_hist(x, _TC_ROWS)
    return jnp.concatenate([tc_out, sc_out], axis=0)

# --- scband reference (transcript-rebuilt; emitter-appended) ---
"""Pipeline reference for scband-layer-hist-81965155877403 (READ-ONLY COPY).

The authoritative reference and input builder live on the scoring server;
editing this copy changes nothing except your own understanding.
"""

import jax, jax.numpy as jnp
import numpy as np

NBINS = 30
VMIN = -6.0
VMAX = 6.0


def setup_inputs(seed: int = 0) -> dict:
    key = jax.random.key(seed)
    x = jax.random.normal(key, (1024, 65536), dtype=jnp.float32)
    return {"x": x}


def reference(x):
    # Faithful translation of Layer_Hist.call.
    # Note: the original computes y = x[1] and inner-loop masks on y, but never
    # uses them in the output; they are dead code and omitted here since they
    # do not affect the result.
    binwidth = abs((VMAX - VMIN) / (NBINS - 2))
    # Insertion order of BinPop dict in the original: key 1, key NBINS, then 2..NBINS-1
    bin_first = jnp.sum((x < VMIN).astype(jnp.float32), axis=1, keepdims=True)
    bin_last = jnp.sum((x >= VMAX).astype(jnp.float32), axis=1, keepdims=True)
    cols = [bin_first, bin_last]
    start = VMIN
    stop = start + binwidth
    for i in range(2, NBINS):
        mask = (x >= start).astype(jnp.float32) * (x < stop).astype(jnp.float32)
        cols.append(jnp.sum(mask, axis=1, keepdims=True))
        start = stop
        stop = start + binwidth
    hist = jnp.concatenate(cols, axis=1)
    return hist

if __name__ == "__main__":
    import jax
    _d = setup_inputs()
    print(jax.jit(kernel)(*tuple(_d.values())))

</pallas_src>

<mosaic_0001>
#map = affine_map<(d0, d1) -> (0, 0)>
#map1 = affine_map<(d0, d1) -> (0)>
module attributes {stable_mosaic.version = 14 : i64} {
  func.func @_sc_hist(%arg0: i32, %arg1: i32, %arg2: memref<1024x65536xf32, #tpu.memory_space<hbm>>, %arg3: memref<24576xf32, #tpu.memory_space<hbm>>, %arg4: memref<16384xf32, #tpu.memory_space<vmem>>, %arg5: memref<16384xf32, #tpu.memory_space<vmem>>, %arg6: memref<704xf32, #tpu.memory_space<vmem>>, %arg7: memref<768xf32, #tpu.memory_space<vmem>>, %arg8: memref<!tpu.dma_semaphore, #tpu.memory_space<semaphore_mem>>, %arg9: memref<!tpu.dma_semaphore, #tpu.memory_space<semaphore_mem>>) attributes {dimension_semantics = [#tpu.dimension_semantics<core_parallel>, #tpu.dimension_semantics<subcore_parallel>], iteration_bounds = array<i64: 2, 16>, scalar_prefetch = 0 : i64, scratch_operands = 6 : i64, tpu.core_type = #tpu.core_type<sc_vector_subcore>, window_params = [{transform_indices = #map}, {transform_indices = #map1}]} {
    %mul3A = arith.constant 2 : i32
    %mul3A_0 = arith.muli %arg1, %mul3A : i32
    %add3A = arith.addi %mul3A_0, %arg0 : i32
    %mul3A_1 = arith.constant 24 : i32
    %mul3A_2 = arith.muli %add3A, %mul3A_1 : i32
    %add3A_3 = arith.constant 256 : i32
    %add3A_4 = arith.addi %add3A_3, %mul3A_2 : i32
    %iota3A = tpu.iota {dimensions = array<i32: 0>} : vector<16xi32>
    %convert_element_type3A = arith.sitofp %iota3A : vector<16xi32> to vector<16xf32>
    %mul3A_5 = arith.constant 3.300000e+01 : f32
    %mul3A_6 = vector.broadcast %mul3A_5 : f32 to vector<16xf32>
    %mul3A_7 = arith.mulf %convert_element_type3A, %mul3A_6 : vector<16xf32>
    %add3A_8 = arith.constant 3.200000e+01 : f32
    %add3A_9 = vector.broadcast %add3A_8 : f32 to vector<16xf32>
    %add3A_10 = arith.addf %mul3A_7, %add3A_9 : vector<16xf32>
    %add3A_11 = arith.constant 1.500000e+01 : f32
    %add3A_12 = vector.broadcast %add3A_11 : f32 to vector<16xf32>
    %add3A_13 = arith.addf %add3A_10, %add3A_12 : vector<16xf32>
    %broadcast_in_dim3A = arith.constant 1.000000e+00 : f32
    %broadcast_in_dim3A_14 = vector.broadcast %broadcast_in_dim3A : f32 to vector<16xf32>
    %broadcast_in_dim3A_15 = arith.constant 0.000000e+00 : f32
    %broadcast_in_dim3A_16 = vector.broadcast %broadcast_in_dim3A_15 : f32 to vector<16xf32>
    %iota3A_17 = tpu.iota {dimensions = array<i32: 0>} : vector<16xi32>
    %eq3A = arith.constant 0 : i32
    %eq3A_18 = vector.broadcast %eq3A : i32 to vector<16xi32>
    %eq3A_19 = arith.cmpi eq, %iota3A_17, %eq3A_18 : vector<16xi32>
    %add3A_20 = arith.constant 1 : i32
    %add3A_21 = vector.broadcast %add3A_20 : i32 to vector<16xi32>
    %add3A_22 = arith.addi %iota3A_17, %add3A_21 : vector<16xi32>
    %jit3A = arith.constant 0 : i32
    %broadcast_in_dim3A_23 = vector.broadcast %jit3A : i32 to vector<16xi32>
    %select_n3A = arith.select %eq3A_19, %broadcast_in_dim3A_23, %add3A_22 : vector<16xi1>, vector<16xi32>
    %eq3A_24 = arith.constant 13 : i32
    %eq3A_25 = vector.broadcast %eq3A_24 : i32 to vector<16xi32>
    %eq3A_26 = arith.cmpi eq, %iota3A_17, %eq3A_25 : vector<16xi32>
    %ge3A = arith.constant 14 : i32
    %ge3A_27 = vector.broadcast %ge3A : i32 to vector<16xi32>
    %ge3A_28 = arith.cmpi sge, %iota3A_17, %ge3A_27 : vector<16xi32>
    %add3A_29 = arith.constant 16 : i32
    %add3A_30 = vector.broadcast %add3A_29 : i32 to vector<16xi32>
    %add3A_31 = arith.addi %iota3A_17, %add3A_30 : vector<16xi32>
    %add3A_32 = arith.constant 17 : i32
    %add3A_33 = vector.broadcast %add3A_32 : i32 to vector<16xi32>
    %add3A_34 = arith.addi %iota3A_17, %add3A_33 : vector<16xi32>
    %select_n3A_35 = arith.select %ge3A_28, %add3A_31, %add3A_34 : vector<16xi1>, vector<16xi32>
    %jit3A_36 = arith.constant 1 : i32
    %broadcast_in_dim3A_37 = vector.broadcast %jit3A_36 : i32 to vector<16xi32>
    %select_n3A_38 = arith.select %eq3A_26, %broadcast_in_dim3A_37, %select_n3A_35 : vector<16xi1>, vector<16xi32>
    %add3A_39 = arith.constant 0 : i32
    %add3A_40 = arith.addi %add3A_4, %add3A_39 : i32
    %dma_start3A = arith.constant 0 : i32
    %dma_start3A_41 = tpu.memref_slice %arg2[%add3A_40, %dma_start3A] : memref<1024x65536xf32, #tpu.memory_space<hbm>> -> memref<1x16384xf32, #tpu.memory_space<hbm>>
    %dma_start3A_42 = tpu.memref_squeeze %dma_start3A_41 : memref<1x16384xf32, #tpu.memory_space<hbm>> -> memref<16384xf32, #tpu.memory_space<hbm>>
    %dma_start3A_43 = arith.constant 0 : i32
    %dma_start3A_44 = tpu.memref_slice %arg2[%add3A_40, %dma_start3A_43] : memref<1024x65536xf32, #tpu.memory_space<hbm>> -> memref<1x16384xf32, #tpu.memory_space<hbm>>
    %dma_start3A_45 = tpu.memref_squeeze %dma_start3A_44 : memref<1x16384xf32, #tpu.memory_space<hbm>> -> memref<16384xf32, #tpu.memory_space<hbm>>
    tpu.enqueue_dma source(%dma_start3A_45 : memref<16384xf32, #tpu.memory_space<hbm>>) target(%arg4 : memref<16384xf32, #tpu.memory_space<vmem>>) target_semaphore(%arg8 : memref<!tpu.dma_semaphore, #tpu.memory_space<semaphore_mem>>)
    %scan3A = arith.constant 0 : i32
    %scan3A_46 = arith.constant 0 : i32
    %scan3A_47 = arith.constant 48 : i32
    %scan3A_48 = arith.addi %scan3A_46, %scan3A_47 : i32
    %scan3A_49 = arith.constant 1 : i32
    scf.for %scan3A_55 = %scan3A_46 to %scan3A_48 step %scan3A_49  : i32 {
      %mul3A_56 = arith.constant 2 : i32
      %mul3A_57 = arith.muli %scan3A_55, %mul3A_56 : i32
      %add3A_58 = arith.constant 1 : i32
      %add3A_59 = arith.addi %mul3A_57, %add3A_58 : i32
      %jit3A_60 = arith.constant 4 : i32
      %div3A = arith.divsi %add3A_59, %jit3A_60 : i32
      %sign3A = arith.constant 0 : i32
      %sign3A_61 = arith.cmpi sgt, %add3A_59, %sign3A : i32
      %sign3A_62 = arith.extui %sign3A_61 : i1 to i32
      %sign3A_63 = arith.constant 0 : i32
      %sign3A_64 = arith.cmpi slt, %add3A_59, %sign3A_63 : i32
      %sign3A_65 = arith.extui %sign3A_64 : i1 to i32
      %sign3A_66 = arith.subi %sign3A_62, %sign3A_65 : i32
      %sign3A_67 = arith.constant 0 : i32
      %sign3A_68 = arith.cmpi sgt, %jit3A_60, %sign3A_67 : i32
      %sign3A_69 = arith.extui %sign3A_68 : i1 to i32
      %sign3A_70 = arith.constant 0 : i32
      %sign3A_71 = arith.cmpi slt, %jit3A_60, %sign3A_70 : i32
      %sign3A_72 = arith.extui %sign3A_71 : i1 to i32
      %sign3A_73 = arith.subi %sign3A_69, %sign3A_72 : i32
      %ne3A = arith.cmpi ne, %sign3A_66, %sign3A_73 : i32
      %rem3A = arith.remsi %add3A_59, %jit3A_60 : i32
      %ne3A_74 = arith.constant 0 : i32
      %ne3A_75 = arith.cmpi ne, %rem3A, %ne3A_74 : i32
      %and3A = arith.andi %ne3A, %ne3A_75 : i1
      %sub3A = arith.constant 1 : i32
      %sub3A_76 = arith.subi %div3A, %sub3A : i32
      %select_n3A_77 = arith.select %and3A, %sub3A_76, %div3A : i32
      %jit3A_78 = arith.constant 4 : i32
      %eq3A_79 = arith.constant 0 : i32
      %eq3A_80 = arith.cmpi eq, %jit3A_78, %eq3A_79 : i32
      %jit3A_81 = arith.constant 1 : i32
      %select_n3A_82 = arith.select %eq3A_80, %jit3A_81, %jit3A_78 : i32
      %rem3A_83 = arith.remsi %add3A_59, %select_n3A_82 : i32
      %ne3A_84 = arith.constant 0 : i32
      %ne3A_85 = arith.cmpi ne, %rem3A_83, %ne3A_84 : i32
      %lt3A = arith.constant 0 : i32
      %lt3A_86 = arith.cmpi slt, %rem3A_83, %lt3A : i32
      %lt3A_87 = arith.constant 0 : i32
      %lt3A_88 = arith.cmpi slt, %select_n3A_82, %lt3A_87 : i32
      %ne3A_89 = arith.xori %lt3A_86, %lt3A_88 : i1
      %and3A_90 = arith.andi %ne3A_89, %ne3A_85 : i1
      %add3A_91 = arith.addi %rem3A_83, %select_n3A_82 : i32
      %select_n3A_92 = arith.select %and3A_90, %add3A_91, %rem3A_83 : i32
      %mul3A_93 = arith.constant 16384 : i32
      %mul3A_94 = arith.muli %select_n3A_92, %mul3A_93 : i32
      %add3A_95 = arith.addi %add3A_4, %select_n3A_77 : i32
      %dma_start3A_96 = tpu.memref_slice %arg2[%add3A_95, %mul3A_94] : memref<1024x65536xf32, #tpu.memory_space<hbm>> -> memref<1x16384xf32, #tpu.memory_space<hbm>>
      %dma_start3A_97 = tpu.memref_squeeze %dma_start3A_96 : memref<1x16384xf32, #tpu.memory_space<hbm>> -> memref<16384xf32, #tpu.memory_space<hbm>>
      %dma_start3A_98 = tpu.memref_slice %arg2[%add3A_95, %mul3A_94] : memref<1024x65536xf32, #tpu.memory_space<hbm>> -> memref<1x16384xf32, #tpu.memory_space<hbm>>
      %dma_start3A_99 = tpu.memref_squeeze %dma_start3A_98 : memref<1x16384xf32, #tpu.memory_space<hbm>> -> memref<16384xf32, #tpu.memory_space<hbm>>
      tpu.enqueue_dma source(%dma_start3A_99 : memref<16384xf32, #tpu.memory_space<hbm>>) target(%arg5 : memref<16384xf32, #tpu.memory_space<vmem>>) target_semaphore(%arg9 : memref<!tpu.dma_semaphore, #tpu.memory_space<semaphore_mem>>)
      %jit3A_100 = arith.constant 4 : i32
      %eq3A_101 = arith.constant 0 : i32
      %eq3A_102 = arith.cmpi eq, %jit3A_100, %eq3A_101 : i32
      %jit3A_103 = arith.constant 1 : i32
      %select_n3A_104 = arith.select %eq3A_102, %jit3A_103, %jit3A_100 : i32
      %rem3A_105 = arith.remsi %mul3A_57, %select_n3A_104 : i32
      %ne3A_106 = arith.constant 0 : i32
      %ne3A_107 = arith.cmpi ne, %rem3A_105, %ne3A_106 : i32
      %lt3A_108 = arith.constant 0 : i32
      %lt3A_109 = arith.cmpi slt, %rem3A_105, %lt3A_108 : i32
      %lt3A_110 = arith.constant 0 : i32
      %lt3A_111 = arith.cmpi slt, %select_n3A_104, %lt3A_110 : i32
      %ne3A_112 = arith.xori %lt3A_109, %lt3A_111 : i1
      %and3A_113 = arith.andi %ne3A_112, %ne3A_107 : i1
      %add3A_114 = arith.addi %rem3A_105, %select_n3A_104 : i32
      %select_n3A_115 = arith.select %and3A_113, %add3A_114, %rem3A_105 : i32
      %eq3A_116 = arith.constant 0 : i32
      %eq3A_117 = arith.cmpi eq, %select_n3A_115, %eq3A_116 : i32
      %convert_element_type3A_118 = arith.extui %eq3A_117 : i1 to i32
      %cond3A = arith.constant 0 : i32
      %cond3A_119 = arith.cmpi ne, %convert_element_type3A_118, %cond3A : i32
      scf.if %cond3A_119 {
        %swap3A = arith.constant 0 : index
        %swap3A_246 = tpu.vector_load %arg6[%swap3A] {strides = array<i32>} : memref<704xf32, #tpu.memory_space<vmem>>, vector<16xf32>,
        tpu.vector_store %arg6[%swap3A], %broadcast_in_dim3A_16 {strides = array<i32>} : memref<704xf32, #tpu.memory_space<vmem>>, vector<16xf32>,
        %swap3A_247 = arith.constant 16 : index
        %swap3A_248 = tpu.vector_load %arg6[%swap3A_247] {strides = array<i32>} : memref<704xf32, #tpu.memory_space<vmem>>, vector<16xf32>,
        tpu.vector_store %arg6[%swap3A_247], %broadcast_in_dim3A_16 {strides = array<i32>} : memref<704xf32, #tpu.memory_space<vmem>>, vector<16xf32>,
        %swap3A_249 = arith.constant 32 : index
        %swap3A_250 = tpu.vector_load %arg6[%swap3A_249] {strides = array<i32>} : memref<704xf32, #tpu.memory_space<vmem>>, vector<16xf32>,
        tpu.vector_store %arg6[%swap3A_249], %broadcast_in_dim3A_16 {strides = array<i32>} : memref<704xf32, #tpu.memory_space<vmem>>, vector<16xf32>,
        %swap3A_251 = arith.constant 48 : index
        %swap3A_252 = tpu.vector_load %arg6[%swap3A_251] {strides = array<i32>} : memref<704xf32, #tpu.memory_space<vmem>>, vector<16xf32>,
        tpu.vector_store %arg6[%swap3A_251], %broadcast_in_dim3A_16 {strides = array<i32>} : memref<704xf32, #tpu.memory_space<vmem>>, vector<16xf32>,
        %swap3A_253 = arith.constant 64 : index
        %swap3A_254 = tpu.vector_load %arg6[%swap3A_253] {strides = array<i32>} : memref<704xf32, #tpu.memory_space<vmem>>, vector<16xf32>,
        tpu.vector_store %arg6[%swap3A_253], %broadcast_in_dim3A_16 {strides = array<i32>} : memref<704xf32, #tpu.memory_space<vmem>>, vector<16xf32>,
        %swap3A_255 = arith.constant 80 : index
        %swap3A_256 = tpu.vector_load %arg6[%swap3A_255] {strides = array<i32>} : memref<704xf32, #tpu.memory_space<vmem>>, vector<16xf32>,
        tpu.vector_store %arg6[%swap3A_255], %broadcast_in_dim3A_16 {strides = array<i32>} : memref<704xf32, #tpu.memory_space<vmem>>, vector<16xf32>,
        %swap3A_257 = arith.constant 96 : index
        %swap3A_258 = tpu.vector_load %arg6[%swap3A_257] {strides = array<i32>} : memref<704xf32, #tpu.memory_space<vmem>>, vector<16xf32>,
        tpu.vector_store %arg6[%swap3A_257], %broadcast_in_dim3A_16 {strides = array<i32>} : memref<704xf32, #tpu.memory_space<vmem>>, vector<16xf32>,
        %swap3A_259 = arith.constant 112 : index
        %swap3A_260 = tpu.vector_load %arg6[%swap3A_259] {strides = array<i32>} : memref<704xf32, #tpu.memory_space<vmem>>, vector<16xf32>,
        tpu.vector_store %arg6[%swap3A_259], %broadcast_in_dim3A_16 {strides = array<i32>} : memref<704xf32, #tpu.memory_space<vmem>>, vector<16xf32>,
        %swap3A_261 = arith.constant 128 : index
        %swap3A_262 = tpu.vector_load %arg6[%swap3A_261] {strides = array<i32>} : memref<704xf32, #tpu.memory_space<vmem>>, vector<16xf32>,
        tpu.vector_store %arg6[%swap3A_261], %broadcast_in_dim3A_16 {strides = array<i32>} : memref<704xf32, #tpu.memory_space<vmem>>, vector<16xf32>,
        %swap3A_263 = arith.constant 144 : index
        %swap3A_264 = tpu.vector_load %arg6[%swap3A_263] {strides = array<i32>} : memref<704xf32, #tpu.memory_space<vmem>>, vector<16xf32>,
        tpu.vector_store %arg6[%swap3A_263], %broadcast_in_dim3A_16 {strides = array<i32>} : memref<704xf32, #tpu.memory_space<vmem>>, vector<16xf32>,
        %swap3A_265 = arith.constant 160 : index
        %swap3A_266 = tpu.vector_load %arg6[%swap3A_265] {strides = array<i32>} : memref<704xf32, #tpu.memory_space<vmem>>, vector<16xf32>,
        tpu.vector_store %arg6[%swap3A_265], %broadcast_in_dim3A_16 {strides = array<i32>} : memref<704xf32, #tpu.memory_space<vmem>>, vector<16xf32>,
        %swap3A_267 = arith.constant 176 : index
        %swap3A_268 = tpu.vector_load %arg6[%swap3A_267] {strides = array<i32>} : memref<704xf32, #tpu.memory_space<vmem>>, vector<16xf32>,
        tpu.vector_store %arg6[%swap3A_267], %broadcast_in_dim3A_16 {strides = array<i32>} : memref<704xf32, #tpu.memory_space<vmem>>, vector<16xf32>,
        %swap3A_269 = arith.constant 192 : index
        %swap3A_270 = tpu.vector_load %arg6[%swap3A_269] {strides = array<i32>} : memref<704xf32, #tpu.memory_space<vmem>>, vector<16xf32>,
        tpu.vector_store %arg6[%swap3A_269], %broadcast_in_dim3A_16 {strides = array<i32>} : memref<704xf32, #tpu.memory_space<vmem>>, vector<16xf32>,
        %swap3A_271 = arith.constant 208 : index
        %swap3A_272 = tpu.vector_load %arg6[%swap3A_271] {strides = array<i32>} : memref<704xf32, #tpu.memory_space<vmem>>, vector<16xf32>,
        tpu.vector_store %arg6[%swap3A_271], %broadcast_in_dim3A_16 {strides = array<i32>} : memref<704xf32, #tpu.memory_space<vmem>>, vector<16xf32>,
        %swap3A_273 = arith.constant 224 : index
        %swap3A_274 = tpu.vector_load %arg6[%swap3A_273] {strides = array<i32>} : memref<704xf32, #tpu.memory_space<vmem>>, vector<16xf32>,
        tpu.vector_store %arg6[%swap3A_273], %broadcast_in_dim3A_16 {strides = array<i32>} : memref<704xf32, #tpu.memory_space<vmem>>, vector<16xf32>,
        %swap3A_275 = arith.constant 240 : index
        %swap3A_276 = tpu.vector_load %arg6[%swap3A_275] {strides = array<i32>} : memref<704xf32, #tpu.memory_space<vmem>>, vector<16xf32>,
        tpu.vector_store %arg6[%swap3A_275], %broadcast_in_dim3A_16 {strides = array<i32>} : memref<704xf32, #tpu.memory_space<vmem>>, vector<16xf32>,
        %swap3A_277 = arith.constant 256 : index
        %swap3A_278 = tpu.vector_load %arg6[%swap3A_277] {strides = array<i32>} : memref<704xf32, #tpu.memory_space<vmem>>, vector<16xf32>,
        tpu.vector_store %arg6[%swap3A_277], %broadcast_in_dim3A_16 {strides = array<i32>} : memref<704xf32, #tpu.memory_space<vmem>>, vector<16xf32>,
        %swap3A_279 = arith.constant 272 : index
        %swap3A_280 = tpu.vector_load %arg6[%swap3A_279] {strides = array<i32>} : memref<704xf32, #tpu.memory_space<vmem>>, vector<16xf32>,
        tpu.vector_store %arg6[%swap3A_279], %broadcast_in_dim3A_16 {strides = array<i32>} : memref<704xf32, #tpu.memory_space<vmem>>, vector<16xf32>,
        %swap3A_281 = arith.constant 288 : index
        %swap3A_282 = tpu.vector_load %arg6[%swap3A_281] {strides = array<i32>} : memref<704xf32, #tpu.memory_space<vmem>>, vector<16xf32>,
        tpu.vector_store %arg6[%swap3A_281], %broadcast_in_dim3A_16 {strides = array<i32>} : memref<704xf32, #tpu.memory_space<vmem>>, vector<16xf32>,
        %swap3A_283 = arith.constant 304 : index
        %swap3A_284 = tpu.vector_load %arg6[%swap3A_283] {strides = array<i32>} : memref<704xf32, #tpu.memory_space<vmem>>, vector<16xf32>,
        tpu.vector_store %arg6[%swap3A_283], %broadcast_in_dim3A_16 {strides = array<i32>} : memref<704xf32, #tpu.memory_space<vmem>>, vector<16xf32>,
        %swap3A_285 = arith.constant 320 : index
        %swap3A_286 = tpu.vector_load %arg6[%swap3A_285] {strides = array<i32>} : memref<704xf32, #tpu.memory_space<vmem>>, vector<16xf32>,
        tpu.vector_store %arg6[%swap3A_285], %broadcast_in_dim3A_16 {strides = array<i32>} : memref<704xf32, #tpu.memory_space<vmem>>, vector<16xf32>,
        %swap3A_287 = arith.constant 336 : index
        %swap3A_288 = tpu.vector_load %arg6[%swap3A_287] {strides = array<i32>} : memref<704xf32, #tpu.memory_space<vmem>>, vector<16xf32>,
        tpu.vector_store %arg6[%swap3A_287], %broadcast_in_dim3A_16 {strides = array<i32>} : memref<704xf32, #tpu.memory_space<vmem>>, vector<16xf32>,
        %swap3A_289 = arith.constant 352 : index
        %swap3A_290 = tpu.vector_load %arg6[%swap3A_289] {strides = array<i32>} : memref<704xf32, #tpu.memory_space<vmem>>, vector<16xf32>,
        tpu.vector_store %arg6[%swap3A_289], %broadcast_in_dim3A_16 {strides = array<i32>} : memref<704xf32, #tpu.memory_space<vmem>>, vector<16xf32>,
        %swap3A_291 = arith.constant 368 : index
        %swap3A_292 = tpu.vector_load %arg6[%swap3A_291] {strides = array<i32>} : memref<704xf32, #tpu.memory_space<vmem>>, vector<16xf32>,
        tpu.vector_store %arg6[%swap3A_291], %broadcast_in_dim3A_16 {strides = array<i32>} : memref<704xf32, #tpu.memory_space<vmem>>, vector<16xf32>,
        %swap3A_293 = arith.constant 384 : index
        %swap3A_294 = tpu.vector_load %arg6[%swap3A_293] {strides = array<i32>} : memref<704xf32, #tpu.memory_space<vmem>>, vector<16xf32>,
        tpu.vector_store %arg6[%swap3A_293], %broadcast_in_dim3A_16 {strides = array<i32>} : memref<704xf32, #tpu.memory_space<vmem>>, vector<16xf32>,
        %swap3A_295 = arith.constant 400 : index
        %swap3A_296 = tpu.vector_load %arg6[%swap3A_295] {strides = array<i32>} : memref<704xf32, #tpu.memory_space<vmem>>, vector<16xf32>,
        tpu.vector_store %arg6[%swap3A_295], %broadcast_in_dim3A_16 {strides = array<i32>} : memref<704xf32, #tpu.memory_space<vmem>>, vector<16xf32>,
        %swap3A_297 = arith.constant 416 : index
        %swap3A_298 = tpu.vector_load %arg6[%swap3A_297] {strides = array<i32>} : memref<704xf32, #tpu.memory_space<vmem>>, vector<16xf32>,
        tpu.vector_store %arg6[%swap3A_297], %broadcast_in_dim3A_16 {strides = array<i32>} : memref<704xf32, #tpu.memory_space<vmem>>, vector<16xf32>,
        %swap3A_299 = arith.constant 432 : index
        %swap3A_300 = tpu.vector_load %arg6[%swap3A_299] {strides = array<i32>} : memref<704xf32, #tpu.memory_space<vmem>>, vector<16xf32>,
        tpu.vector_store %arg6[%swap3A_299], %broadcast_in_dim3A_16 {strides = array<i32>} : memref<704xf32, #tpu.memory_space<vmem>>, vector<16xf32>,
        %swap3A_301 = arith.constant 448 : index
        %swap3A_302 = tpu.vector_load %arg6[%swap3A_301] {strides = array<i32>} : memref<704xf32, #tpu.memory_space<vmem>>, vector<16xf32>,
        tpu.vector_store %arg6[%swap3A_301], %broadcast_in_dim3A_16 {strides = array<i32>} : memref<704xf32, #tpu.memory_space<vmem>>, vector<16xf32>,
        %swap3A_303 = arith.constant 464 : index
        %swap3A_304 = tpu.vector_load %arg6[%swap3A_303] {strides = array<i32>} : memref<704xf32, #tpu.memory_space<vmem>>, vector<16xf32>,
        tpu.vector_store %arg6[%swap3A_303], %broadcast_in_dim3A_16 {strides = array<i32>} : memref<704xf32, #tpu.memory_space<vmem>>, vector<16xf32>,
        %swap3A_305 = arith.constant 480 : index
        %swap3A_306 = tpu.vector_load %arg6[%swap3A_305] {strides = array<i32>} : memref<704xf32, #tpu.memory_space<vmem>>, vector<16xf32>,
        tpu.vector_store %arg6[%swap3A_305], %broadcast_in_dim3A_16 {strides = array<i32>} : memref<704xf32, #tpu.memory_space<vmem>>, vector<16xf32>,
        %swap3A_307 = arith.constant 496 : index
        %swap3A_308 = tpu.vector_load %arg6[%swap3A_307] {strides = array<i32>} : memref<704xf32, #tpu.memory_space<vmem>>, vector<16xf32>,
        tpu.vector_store %arg6[%swap3A_307], %broadcast_in_dim3A_16 {strides = array<i32>} : memref<704xf32, #tpu.memory_space<vmem>>, vector<16xf32>,
        %swap3A_309 = arith.constant 512 : index
        %swap3A_310 = tpu.vector_load %arg6[%swap3A_309] {strides = array<i32>} : memref<704xf32, #tpu.memory_space<vmem>>, vector<16xf32>,
        tpu.vector_store %arg6[%swap3A_309], %broadcast_in_dim3A_16 {strides = array<i32>} : memref<704xf32, #tpu.memory_space<vmem>>, vector<16xf32>,
        %swap3A_311 = arith.constant 528 : index
        %swap3A_312 = tpu.vector_load %arg6[%swap3A_311] {strides = array<i32>} : memref<704xf32, #tpu.memory_space<vmem>>, vector<16xf32>,
        tpu.vector_store %arg6[%swap3A_311], %broadcast_in_dim3A_16 {strides = array<i32>} : memref<704xf32, #tpu.memory_space<vmem>>, vector<16xf32>,
        %swap3A_313 = arith.constant 544 : index
        %swap3A_314 = tpu.vector_load %arg6[%swap3A_313] {strides = array<i32>} : memref<704xf32, #tpu.memory_space<vmem>>, vector<16xf32>,
        tpu.vector_store %arg6[%swap3A_313], %broadcast_in_dim3A_16 {strides = array<i32>} : memref<704xf32, #tpu.memory_space<vmem>>, vector<16xf32>,
        %swap3A_315 = arith.constant 560 : index
        %swap3A_316 = tpu.vector_load %arg6[%swap3A_315] {strides = array<i32>} : memref<704xf32, #tpu.memory_space<vmem>>, vector<16xf32>,
        tpu.vector_store %arg6[%swap3A_315], %broadcast_in_dim3A_16 {strides = array<i32>} : memref<704xf32, #tpu.memory_space<vmem>>, vector<16xf32>,
        %swap3A_317 = arith.constant 576 : index
        %swap3A_318 = tpu.vector_load %arg6[%swap3A_317] {strides = array<i32>} : memref<704xf32, #tpu.memory_space<vmem>>, vector<16xf32>,
        tpu.vector_store %arg6[%swap3A_317], %broadcast_in_dim3A_16 {strides = array<i32>} : memref<704xf32, #tpu.memory_space<vmem>>, vector<16xf32>,
        %swap3A_319 = arith.constant 592 : index
        %swap3A_320 = tpu.vector_load %arg6[%swap3A_319] {strides = array<i32>} : memref<704xf32, #tpu.memory_space<vmem>>, vector<16xf32>,
        tpu.vector_store %arg6[%swap3A_319], %broadcast_in_dim3A_16 {strides = array<i32>} : memref<704xf32, #tpu.memory_space<vmem>>, vector<16xf32>,
        %swap3A_321 = arith.constant 608 : index
        %swap3A_322 = tpu.vector_load %arg6[%swap3A_321] {strides = array<i32>} : memref<704xf32, #tpu.memory_space<vmem>>, vector<16xf32>,
        tpu.vector_store %arg6[%swap3A_321], %broadcast_in_dim3A_16 {strides = array<i32>} : memref<704xf32, #tpu.memory_space<vmem>>, vector<16xf32>,
        %swap3A_323 = arith.constant 624 : index
        %swap3A_324 = tpu.vector_load %arg6[%swap3A_323] {strides = array<i32>} : memref<704xf32, #tpu.memory_space<vmem>>, vector<16xf32>,
        tpu.vector_store %arg6[%swap3A_323], %broadcast_in_dim3A_16 {strides = array<i32>} : memref<704xf32, #tpu.memory_space<vmem>>, vector<16xf32>,
        %swap3A_325 = arith.constant 640 : index
        %swap3A_326 = tpu.vector_load %arg6[%swap3A_325] {strides = array<i32>} : memref<704xf32, #tpu.memory_space<vmem>>, vector<16xf32>,
        tpu.vector_store %arg6[%swap3A_325], %broadcast_in_dim3A_16 {strides = array<i32>} : memref<704xf32, #tpu.memory_space<vmem>>, vector<16xf32>,
        %swap3A_327 = arith.constant 656 : index
        %swap3A_328 = tpu.vector_load %arg6[%swap3A_327] {strides = array<i32>} : memref<704xf32, #tpu.memory_space<vmem>>, vector<16xf32>,
        tpu.vector_store %arg6[%swap3A_327], %broadcast_in_dim3A_16 {strides = array<i32>} : memref<704xf32, #tpu.memory_space<vmem>>, vector<16xf32>,
        %swap3A_329 = arith.constant 672 : index
        %swap3A_330 = tpu.vector_load %arg6[%swap3A_329] {strides = array<i32>} : memref<704xf32, #tpu.memory_space<vmem>>, vector<16xf32>,
        tpu.vector_store %arg6[%swap3A_329], %broadcast_in_dim3A_16 {strides = array<i32>} : memref<704xf32, #tpu.memory_space<vmem>>, vector<16xf32>,
        %swap3A_331 = arith.constant 688 : index
        %swap3A_332 = tpu.vector_load %arg6[%swap3A_331] {strides = array<i32>} : memref<704xf32, #tpu.memory_space<vmem>>, vector<16xf32>,
        tpu.vector_store %arg6[%swap3A_331], %broadcast_in_dim3A_16 {strides = array<i32>} : memref<704xf32, #tpu.memory_space<vmem>>, vector<16xf32>,
      } else {
      }
      %jit3A_120 = arith.constant 4 : i32
      %div3A_121 = arith.divsi %mul3A_57, %jit3A_120 : i32
      %sign3A_122 = arith.constant 0 : i32
      %sign3A_123 = arith.cmpi sgt, %mul3A_57, %sign3A_122 : i32
      %sign3A_124 = arith.extui %sign3A_123 : i1 to i32
      %sign3A_125 = arith.constant 0 : i32
      %sign3A_126 = arith.cmpi slt, %mul3A_57, %sign3A_125 : i32
      %sign3A_127 = arith.extui %sign3A_126 : i1 to i32
      %sign3A_128 = arith.subi %sign3A_124, %sign3A_127 : i32
      %sign3A_129 = arith.constant 0 : i32
      %sign3A_130 = arith.cmpi sgt, %jit3A_120, %sign3A_129 : i32
      %sign3A_131 = arith.extui %sign3A_130 : i1 to i32
      %sign3A_132 = arith.constant 0 : i32
      %sign3A_133 = arith.cmpi slt, %jit3A_120, %sign3A_132 : i32
      %sign3A_134 = arith.extui %sign3A_133 : i1 to i32
      %sign3A_135 = arith.subi %sign3A_131, %sign3A_134 : i32
      %ne3A_136 = arith.cmpi ne, %sign3A_128, %sign3A_135 : i32
      %rem3A_137 = arith.remsi %mul3A_57, %jit3A_120 : i32
      %ne3A_138 = arith.constant 0 : i32
      %ne3A_139 = arith.cmpi ne, %rem3A_137, %ne3A_138 : i32
      %and3A_140 = arith.andi %ne3A_136, %ne3A_139 : i1
      %sub3A_141 = arith.constant 1 : i32
      %sub3A_142 = arith.subi %div3A_121, %sub3A_141 : i32
      %select_n3A_143 = arith.select %and3A_140, %sub3A_142, %div3A_121 : i32
      %jit3A_144 = arith.constant 4 : i32
      %eq3A_145 = arith.constant 0 : i32
      %eq3A_146 = arith.cmpi eq, %jit3A_144, %eq3A_145 : i32
      %jit3A_147 = arith.constant 1 : i32
      %select_n3A_148 = arith.select %eq3A_146, %jit3A_147, %jit3A_144 : i32
      %rem3A_149 = arith.remsi %mul3A_57, %select_n3A_148 : i32
      %ne3A_150 = arith.constant 0 : i32
      %ne3A_151 = arith.cmpi ne, %rem3A_149, %ne3A_150 : i32
      %lt3A_152 = arith.constant 0 : i32
      %lt3A_153 = arith.cmpi slt, %rem3A_149, %lt3A_152 : i32
      %lt3A_154 = arith.constant 0 : i32
      %lt3A_155 = arith.cmpi slt, %select_n3A_148, %lt3A_154 : i32
      %ne3A_156 = arith.xori %lt3A_153, %lt3A_155 : i1
      %and3A_157 = arith.andi %ne3A_156, %ne3A_151 : i1
      %add3A_158 = arith.addi %rem3A_149, %select_n3A_148 : i32
      %select_n3A_159 = arith.select %and3A_157, %add3A_158, %rem3A_149 : i32
      %mul3A_160 = arith.constant 16384 : i32
      %mul3A_161 = arith.muli %select_n3A_159, %mul3A_160 : i32
      %add3A_162 = arith.addi %add3A_4, %select_n3A_143 : i32
      %dma_wait3A = tpu.memref_slice %arg2[%add3A_162, %mul3A_161] : memref<1024x65536xf32, #tpu.memory_space<hbm>> -> memref<1x16384xf32, #tpu.memory_space<hbm>>
      %dma_wait3A_163 = tpu.memref_squeeze %dma_wait3A : memref<1x16384xf32, #tpu.memory_space<hbm>> -> memref<16384xf32, #tpu.memory_space<hbm>>
      %dma_wait3A_164 = tpu.memref_slice %arg2[%add3A_162, %mul3A_161] : memref<1024x65536xf32, #tpu.memory_space<hbm>> -> memref<1x16384xf32, #tpu.memory_space<hbm>>
      %dma_wait3A_165 = tpu.memref_squeeze %dma_wait3A_164 : memref<1x16384xf32, #tpu.memory_space<hbm>> -> memref<16384xf32, #tpu.memory_space<hbm>>
      tpu.wait_dma2 semaphore(%arg8 : memref<!tpu.dma_semaphore, #tpu.memory_space<semaphore_mem>>) src(%dma_wait3A_165 : memref<16384xf32, #tpu.memory_space<hbm>>) dst(%arg4 : memref<16384xf32, #tpu.memory_space<vmem>>)
      %parallel_loop3A = arith.constant 0 : i32
      %parallel_loop3A_166 = arith.constant 1024 : i32
      %parallel_loop3A_167 = arith.constant 1 : i32
      scf.for %parallel_loop3A_246 = %parallel_loop3A to %parallel_loop3A_166 step %parallel_loop3A_167  : i32 {
        %parallel_loop3A_247 = arith.constant 16 : i32
        %parallel_loop3A_248 = arith.muli %parallel_loop3A_246, %parallel_loop3A_247 : i32
        %parallel_loop3A_249 = arith.index_cast %parallel_loop3A_248 : i32 to index
        %parallel_loop3A_250 = tpu.vector_load %arg4[%parallel_loop3A_249] {strides = array<i32>} : memref<16384xf32, #tpu.memory_space<vmem>>, vector<16xf32>,
        %parallel_loop3A_251 = arith.constant 2.33333325 : f32
        %parallel_loop3A_252 = vector.broadcast %parallel_loop3A_251 : f32 to vector<16xf32>
        %parallel_loop3A_253 = arith.mulf %parallel_loop3A_250, %parallel_loop3A_252 : vector<16xf32>
        %parallel_loop3A_254 = arith.addf %parallel_loop3A_253, %add3A_13 : vector<16xf32>
        %parallel_loop3A_255 = arith.fptosi %parallel_loop3A_254 : vector<16xf32> to vector<16xi32>
        tpu.vector_store_idx %arg6[%parallel_loop3A_255], %broadcast_in_dim3A_14 {add = true} : memref<704xf32, #tpu.memory_space<vmem>>[vector<16xi32>], vector<16xf32>,
      } {sc.loop_unroll_factor = 8 : i64, sc.parallel_access}
      %add3A_168 = arith.constant 1 : i32
      %add3A_169 = arith.addi %scan3A_55, %add3A_168 : i32
      %lt3A_170 = arith.constant 48 : i32
      %lt3A_171 = arith.cmpi slt, %add3A_169, %lt3A_170 : i32
      %convert_element_type3A_172 = arith.extui %lt3A_171 : i1 to i32
      %cond3A_173 = arith.constant 0 : i32
      %cond3A_174 = arith.cmpi ne, %convert_element_type3A_172, %cond3A_173 : i32
      scf.if %cond3A_174 {
        %add3A_246 = arith.constant 2 : i32
        %add3A_247 = arith.addi %mul3A_57, %add3A_246 : i32
        %jit3A_248 = arith.constant 4 : i32
        %div3A_249 = arith.divsi %add3A_247, %jit3A_248 : i32
        %sign3A_250 = arith.constant 0 : i32
        %sign3A_251 = arith.cmpi sgt, %add3A_247, %sign3A_250 : i32
        %sign3A_252 = arith.extui %sign3A_251 : i1 to i32
        %sign3A_253 = arith.constant 0 : i32
        %sign3A_254 = arith.cmpi slt, %add3A_247, %sign3A_253 : i32
        %sign3A_255 = arith.extui %sign3A_254 : i1 to i32
        %sign3A_256 = arith.subi %sign3A_252, %sign3A_255 : i32
        %sign3A_257 = arith.constant 0 : i32
        %sign3A_258 = arith.cmpi sgt, %jit3A_248, %sign3A_257 : i32
        %sign3A_259 = arith.extui %sign3A_258 : i1 to i32
        %sign3A_260 = arith.constant 0 : i32
        %sign3A_261 = arith.cmpi slt, %jit3A_248, %sign3A_260 : i32
        %sign3A_262 = arith.extui %sign3A_261 : i1 to i32
        %sign3A_263 = arith.subi %sign3A_259, %sign3A_262 : i32
        %ne3A_264 = arith.cmpi ne, %sign3A_256, %sign3A_263 : i32
        %rem3A_265 = arith.remsi %add3A_247, %jit3A_248 : i32
        %ne3A_266 = arith.constant 0 : i32
        %ne3A_267 = arith.cmpi ne, %rem3A_265, %ne3A_266 : i32
        %and3A_268 = arith.andi %ne3A_264, %ne3A_267 : i1
        %sub3A_269 = arith.constant 1 : i32
        %sub3A_270 = arith.subi %div3A_249, %sub3A_269 : i32
        %select_n3A_271 = arith.select %and3A_268, %sub3A_270, %div3A_249 : i32
        %jit3A_272 = arith.constant 4 : i32
        %eq3A_273 = arith.constant 0 : i32
        %eq3A_274 = arith.cmpi eq, %jit3A_272, %eq3A_273 : i32
        %jit3A_275 = arith.constant 1 : i32
        %select_n3A_276 = arith.select %eq3A_274, %jit3A_275, %jit3A_272 : i32
        %rem3A_277 = arith.remsi %add3A_247, %select_n3A_276 : i32
        %ne3A_278 = arith.constant 0 : i32
        %ne3A_279 = arith.cmpi ne, %rem3A_277, %ne3A_278 : i32
        %lt3A_280 = arith.constant 0 : i32
        %lt3A_281 = arith.cmpi slt, %rem3A_277, %lt3A_280 : i32
        %lt3A_282 = arith.constant 0 : i32
        %lt3A_283 = arith.cmpi slt, %select_n3A_276, %lt3A_282 : i32
        %ne3A_284 = arith.xori %lt3A_281, %lt3A_283 : i1
        %and3A_285 = arith.andi %ne3A_284, %ne3A_279 : i1
        %add3A_286 = arith.addi %rem3A_277, %select_n3A_276 : i32
        %select_n3A_287 = arith.select %and3A_285, %add3A_286, %rem3A_277 : i32
        %mul3A_288 = arith.constant 16384 : i32
        %mul3A_289 = arith.muli %select_n3A_287, %mul3A_288 : i32
        %add3A_290 = arith.addi %add3A_4, %select_n3A_271 : i32
        %dma_start3A_291 = tpu.memref_slice %arg2[%add3A_290, %mul3A_289] : memref<1024x65536xf32, #tpu.memory_space<hbm>> -> memref<1x16384xf32, #tpu.memory_space<hbm>>
        %dma_start3A_292 = tpu.memref_squeeze %dma_start3A_291 : memref<1x16384xf32, #tpu.memory_space<hbm>> -> memref<16384xf32, #tpu.memory_space<hbm>>
        %dma_start3A_293 = tpu.memref_slice %arg2[%add3A_290, %mul3A_289] : memref<1024x65536xf32, #tpu.memory_space<hbm>> -> memref<1x16384xf32, #tpu.memory_space<hbm>>
        %dma_start3A_294 = tpu.memref_squeeze %dma_start3A_293 : memref<1x16384xf32, #tpu.memory_space<hbm>> -> memref<16384xf32, #tpu.memory_space<hbm>>
        tpu.enqueue_dma source(%dma_start3A_294 : memref<16384xf32, #tpu.memory_space<hbm>>) target(%arg4 : memref<16384xf32, #tpu.memory_space<vmem>>) target_semaphore(%arg8 : memref<!tpu.dma_semaphore, #tpu.memory_space<semaphore_mem>>)
      } else {
      }
      %jit3A_175 = arith.constant 4 : i32
      %div3A_176 = arith.divsi %add3A_59, %jit3A_175 : i32
      %sign3A_177 = arith.constant 0 : i32
      %sign3A_178 = arith.cmpi sgt, %add3A_59, %sign3A_177 : i32
      %sign3A_179 = arith.extui %sign3A_178 : i1 to i32
      %sign3A_180 = arith.constant 0 : i32
      %sign3A_181 = arith.cmpi slt, %add3A_59, %sign3A_180 : i32
      %sign3A_182 = arith.extui %sign3A_181 : i1 to i32
      %sign3A_183 = arith.subi %sign3A_179, %sign3A_182 : i32
      %sign3A_184 = arith.constant 0 : i32
      %sign3A_185 = arith.cmpi sgt, %jit3A_175, %sign3A_184 : i32
      %sign3A_186 = arith.extui %sign3A_185 : i1 to i32
      %sign3A_187 = arith.constant 0 : i32
      %sign3A_188 = arith.cmpi slt, %jit3A_175, %sign3A_187 : i32
      %sign3A_189 = arith.extui %sign3A_188 : i1 to i32
      %sign3A_190 = arith.subi %sign3A_186, %sign3A_189 : i32
      %ne3A_191 = arith.cmpi ne, %sign3A_183, %sign3A_190 : i32
      %rem3A_192 = arith.remsi %add3A_59, %jit3A_175 : i32
      %ne3A_193 = arith.constant 0 : i32
      %ne3A_194 = arith.cmpi ne, %rem3A_192, %ne3A_193 : i32
      %and3A_195 = arith.andi %ne3A_191, %ne3A_194 : i1
      %sub3A_196 = arith.constant 1 : i32
      %sub3A_197 = arith.subi %div3A_176, %sub3A_196 : i32
      %select_n3A_198 = arith.select %and3A_195, %sub3A_197, %div3A_176 : i32
      %jit3A_199 = arith.constant 4 : i32
      %eq3A_200 = arith.constant 0 : i32
      %eq3A_201 = arith.cmpi eq, %jit3A_199, %eq3A_200 : i32
      %jit3A_202 = arith.constant 1 : i32
      %select_n3A_203 = arith.select %eq3A_201, %jit3A_202, %jit3A_199 : i32
      %rem3A_204 = arith.remsi %add3A_59, %select_n3A_203 : i32
      %ne3A_205 = arith.constant 0 : i32
      %ne3A_206 = arith.cmpi ne, %rem3A_204, %ne3A_205 : i32
      %lt3A_207 = arith.constant 0 : i32
      %lt3A_208 = arith.cmpi slt, %rem3A_204, %lt3A_207 : i32
      %lt3A_209 = arith.constant 0 : i32
      %lt3A_210 = arith.cmpi slt, %select_n3A_203, %lt3A_209 : i32
      %ne3A_211 = arith.xori %lt3A_208, %lt3A_210 : i1
      %and3A_212 = arith.andi %ne3A_211, %ne3A_206 : i1
      %add3A_213 = arith.addi %rem3A_204, %select_n3A_203 : i32
      %select_n3A_214 = arith.select %and3A_212, %add3A_213, %rem3A_204 : i32
      %mul3A_215 = arith.constant 16384 : i32
      %mul3A_216 = arith.muli %select_n3A_214, %mul3A_215 : i32
      %add3A_217 = arith.addi %add3A_4, %select_n3A_198 : i32
      %dma_wait3A_218 = tpu.memref_slice %arg2[%add3A_217, %mul3A_216] : memref<1024x65536xf32, #tpu.memory_space<hbm>> -> memref<1x16384xf32, #tpu.memory_space<hbm>>
      %dma_wait3A_219 = tpu.memref_squeeze %dma_wait3A_218 : memref<1x16384xf32, #tpu.memory_space<hbm>> -> memref<16384xf32, #tpu.memory_space<hbm>>
      %dma_wait3A_220 = tpu.memref_slice %arg2[%add3A_217, %mul3A_216] : memref<1024x65536xf32, #tpu.memory_space<hbm>> -> memref<1x16384xf32, #tpu.memory_space<hbm>>
      %dma_wait3A_221 = tpu.memref_squeeze %dma_wait3A_220 : memref<1x16384xf32, #tpu.memory_space<hbm>> -> memref<16384xf32, #tpu.memory_space<hbm>>
      tpu.wait_dma2 semaphore(%arg9 : memref<!tpu.dma_semaphore, #tpu.memory_space<semaphore_mem>>) src(%dma_wait3A_221 : memref<16384xf32, #tpu.memory_space<hbm>>) dst(%arg5 : memref<16384xf32, #tpu.memory_space<vmem>>)
      %parallel_loop3A_222 = arith.constant 0 : i32
      %parallel_loop3A_223 = arith.constant 1024 : i32
      %parallel_loop3A_224 = arith.constant 1 : i32
      scf.for %parallel_loop3A_246 = %parallel_loop3A_222 to %parallel_loop3A_223 step %parallel_loop3A_224  : i32 {
        %parallel_loop3A_247 = arith.constant 16 : i32
        %parallel_loop3A_248 = arith.muli %parallel_loop3A_246, %parallel_loop3A_247 : i32
        %parallel_loop3A_249 = arith.index_cast %parallel_loop3A_248 : i32 to index
        %parallel_loop3A_250 = tpu.vector_load %arg5[%parallel_loop3A_249] {strides = array<i32>} : memref<16384xf32, #tpu.memory_space<vmem>>, vector<16xf32>,
        %parallel_loop3A_251 = arith.constant 2.33333325 : f32
        %parallel_loop3A_252 = vector.broadcast %parallel_loop3A_251 : f32 to vector<16xf32>
        %parallel_loop3A_253 = arith.mulf %parallel_loop3A_250, %parallel_loop3A_252 : vector<16xf32>
        %parallel_loop3A_254 = arith.addf %parallel_loop3A_253, %add3A_13 : vector<16xf32>
        %parallel_loop3A_255 = arith.fptosi %parallel_loop3A_254 : vector<16xf32> to vector<16xi32>
        tpu.vector_store_idx %arg6[%parallel_loop3A_255], %broadcast_in_dim3A_14 {add = true} : memref<704xf32, #tpu.memory_space<vmem>>[vector<16xi32>], vector<16xf32>,
      } {sc.loop_unroll_factor = 8 : i64, sc.parallel_access}
      %jit3A_225 = arith.constant 4 : i32
      %eq3A_226 = arith.constant 0 : i32
      %eq3A_227 = arith.cmpi eq, %jit3A_225, %eq3A_226 : i32
      %jit3A_228 = arith.constant 1 : i32
      %select_n3A_229 = arith.select %eq3A_227, %jit3A_228, %jit3A_225 : i32
      %rem3A_230 = arith.remsi %add3A_59, %select_n3A_229 : i32
      %ne3A_231 = arith.constant 0 : i32
      %ne3A_232 = arith.cmpi ne, %rem3A_230, %ne3A_231 : i32
      %lt3A_233 = arith.constant 0 : i32
      %lt3A_234 = arith.cmpi slt, %rem3A_230, %lt3A_233 : i32
      %lt3A_235 = arith.constant 0 : i32
      %lt3A_236 = arith.cmpi slt, %select_n3A_229, %lt3A_235 : i32
      %ne3A_237 = arith.xori %lt3A_234, %lt3A_236 : i1
      %and3A_238 = arith.andi %ne3A_237, %ne3A_232 : i1
      %add3A_239 = arith.addi %rem3A_230, %select_n3A_229 : i32
      %select_n3A_240 = arith.select %and3A_238, %add3A_239, %rem3A_230 : i32
      %eq3A_241 = arith.constant 3 : i32
      %eq3A_242 = arith.cmpi eq, %select_n3A_240, %eq3A_241 : i32
      %convert_element_type3A_243 = arith.extui %eq3A_242 : i1 to i32
      %cond3A_244 = arith.constant 0 : i32
      %cond3A_245 = arith.cmpi ne, %convert_element_type3A_243, %cond3A_244 : i32
      scf.if %cond3A_245 {
        %jit3A_246 = arith.constant 4 : i32
        %div3A_247 = arith.divsi %add3A_59, %jit3A_246 : i32
        %sign3A_248 = arith.constant 0 : i32
        %sign3A_249 = arith.cmpi sgt, %add3A_59, %sign3A_248 : i32
        %sign3A_250 = arith.extui %sign3A_249 : i1 to i32
        %sign3A_251 = arith.constant 0 : i32
        %sign3A_252 = arith.cmpi slt, %add3A_59, %sign3A_251 : i32
        %sign3A_253 = arith.extui %sign3A_252 : i1 to i32
        %sign3A_254 = arith.subi %sign3A_250, %sign3A_253 : i32
        %sign3A_255 = arith.constant 0 : i32
        %sign3A_256 = arith.cmpi sgt, %jit3A_246, %sign3A_255 : i32
        %sign3A_257 = arith.extui %sign3A_256 : i1 to i32
        %sign3A_258 = arith.constant 0 : i32
        %sign3A_259 = arith.cmpi slt, %jit3A_246, %sign3A_258 : i32
        %sign3A_260 = arith.extui %sign3A_259 : i1 to i32
        %sign3A_261 = arith.subi %sign3A_257, %sign3A_260 : i32
        %ne3A_262 = arith.cmpi ne, %sign3A_254, %sign3A_261 : i32
        %rem3A_263 = arith.remsi %add3A_59, %jit3A_246 : i32
        %ne3A_264 = arith.constant 0 : i32
        %ne3A_265 = arith.cmpi ne, %rem3A_263, %ne3A_264 : i32
        %and3A_266 = arith.andi %ne3A_262, %ne3A_265 : i1
        %sub3A_267 = arith.constant 1 : i32
        %sub3A_268 = arith.subi %div3A_247, %sub3A_267 : i32
        %select_n3A_269 = arith.select %and3A_266, %sub3A_268, %div3A_247 : i32
        %get3A = arith.constant 32 : index
        %get3A_270 = tpu.vector_load %arg6[%get3A] {strides = array<i32>} : memref<704xf32, #tpu.memory_space<vmem>>, vector<16xf32>,
        %add3A_271 = arith.addf %broadcast_in_dim3A_16, %get3A_270 : vector<16xf32>
        %get3A_272 = arith.constant 48 : index
        %get3A_273 = tpu.vector_load %arg6[%get3A_272] {strides = array<i32>} : memref<704xf32, #tpu.memory_space<vmem>>, vector<16xf32>,
        %add3A_274 = arith.addf %broadcast_in_dim3A_16, %get3A_273 : vector<16xf32>
        %get3A_275 = arith.constant 65 : index
        %get3A_276 = tpu.vector_load %arg6[%get3A_275] {strides = array<i32>} : memref<704xf32, #tpu.memory_space<vmem>>, vector<16xf32>,
        %add3A_277 = arith.addf %add3A_271, %get3A_276 : vector<16xf32>
        %get3A_278 = arith.constant 81 : index
        %get3A_279 = tpu.vector_load %arg6[%get3A_278] {strides = array<i32>} : memref<704xf32, #tpu.memory_space<vmem>>, vector<16xf32>,
        %add3A_280 = arith.addf %add3A_274, %get3A_279 : vector<16xf32>
        %get3A_281 = arith.constant 98 : index
        %get3A_282 = tpu.vector_load %arg6[%get3A_281] {strides = array<i32>} : memref<704xf32, #tpu.memory_space<vmem>>, vector<16xf32>,
        %add3A_283 = arith.addf %add3A_277, %get3A_282 : vector<16xf32>
        %get3A_284 = arith.constant 114 : index
        %get3A_285 = tpu.vector_load %arg6[%get3A_284] {strides = array<i32>} : memref<704xf32, #tpu.memory_space<vmem>>, vector<16xf32>,
        %add3A_286 = arith.addf %add3A_280, %get3A_285 : vector<16xf32>
        %get3A_287 = arith.constant 131 : index
        %get3A_288 = tpu.vector_load %arg6[%get3A_287] {strides = array<i32>} : memref<704xf32, #tpu.memory_space<vmem>>, vector<16xf32>,
        %add3A_289 = arith.addf %add3A_283, %get3A_288 : vector<16xf32>
        %get3A_290 = arith.constant 147 : index
        %get3A_291 = tpu.vector_load %arg6[%get3A_290] {strides = array<i32>} : memref<704xf32, #tpu.memory_space<vmem>>, vector<16xf32>,
        %add3A_292 = arith.addf %add3A_286, %get3A_291 : vector<16xf32>
        %get3A_293 = arith.constant 164 : index
        %get3A_294 = tpu.vector_load %arg6[%get3A_293] {strides = array<i32>} : memref<704xf32, #tpu.memory_space<vmem>>, vector<16xf32>,
        %add3A_295 = arith.addf %add3A_289, %get3A_294 : vector<16xf32>
        %get3A_296 = arith.constant 180 : index
        %get3A_297 = tpu.vector_load %arg6[%get3A_296] {strides = array<i32>} : memref<704xf32, #tpu.memory_space<vmem>>, vector<16xf32>,
        %add3A_298 = arith.addf %add3A_292, %get3A_297 : vector<16xf32>
        %get3A_299 = arith.constant 197 : index
        %get3A_300 = tpu.vector_load %arg6[%get3A_299] {strides = array<i32>} : memref<704xf32, #tpu.memory_space<vmem>>, vector<16xf32>,
        %add3A_301 = arith.addf %add3A_295, %get3A_300 : vector<16xf32>
        %get3A_302 = arith.constant 213 : index
        %get3A_303 = tpu.vector_load %arg6[%get3A_302] {strides = array<i32>} : memref<704xf32, #tpu.memory_space<vmem>>, vector<16xf32>,
        %add3A_304 = arith.addf %add3A_298, %get3A_303 : vector<16xf32>
        %get3A_305 = arith.constant 230 : index
        %get3A_306 = tpu.vector_load %arg6[%get3A_305] {strides = array<i32>} : memref<704xf32, #tpu.memory_space<vmem>>, vector<16xf32>,
        %add3A_307 = arith.addf %add3A_301, %get3A_306 : vector<16xf32>
        %get3A_308 = arith.constant 246 : index
        %get3A_309 = tpu.vector_load %arg6[%get3A_308] {strides = array<i32>} : memref<704xf32, #tpu.memory_space<vmem>>, vector<16xf32>,
        %add3A_310 = arith.addf %add3A_304, %get3A_309 : vector<16xf32>
        %get3A_311 = arith.constant 263 : index
        %get3A_312 = tpu.vector_load %arg6[%get3A_311] {strides = array<i32>} : memref<704xf32, #tpu.memory_space<vmem>>, vector<16xf32>,
        %add3A_313 = arith.addf %add3A_307, %get3A_312 : vector<16xf32>
        %get3A_314 = arith.constant 279 : index
        %get3A_315 = tpu.vector_load %arg6[%get3A_314] {strides = array<i32>} : memref<704xf32, #tpu.memory_space<vmem>>, vector<16xf32>,
        %add3A_316 = arith.addf %add3A_310, %get3A_315 : vector<16xf32>
        %get3A_317 = arith.constant 296 : index
        %get3A_318 = tpu.vector_load %arg6[%get3A_317] {strides = array<i32>} : memref<704xf32, #tpu.memory_space<vmem>>, vector<16xf32>,
        %add3A_319 = arith.addf %add3A_313, %get3A_318 : vector<16xf32>
        %get3A_320 = arith.constant 312 : index
        %get3A_321 = tpu.vector_load %arg6[%get3A_320] {strides = array<i32>} : memref<704xf32, #tpu.memory_space<vmem>>, vector<16xf32>,
        %add3A_322 = arith.addf %add3A_316, %get3A_321 : vector<16xf32>
        %get3A_323 = arith.constant 329 : index
        %get3A_324 = tpu.vector_load %arg6[%get3A_323] {strides = array<i32>} : memref<704xf32, #tpu.memory_space<vmem>>, vector<16xf32>,
        %add3A_325 = arith.addf %add3A_319, %get3A_324 : vector<16xf32>
        %get3A_326 = arith.constant 345 : index
        %get3A_327 = tpu.vector_load %arg6[%get3A_326] {strides = array<i32>} : memref<704xf32, #tpu.memory_space<vmem>>, vector<16xf32>,
        %add3A_328 = arith.addf %add3A_322, %get3A_327 : vector<16xf32>
        %get3A_329 = arith.constant 362 : index
        %get3A_330 = tpu.vector_load %arg6[%get3A_329] {strides = array<i32>} : memref<704xf32, #tpu.memory_space<vmem>>, vector<16xf32>,
        %add3A_331 = arith.addf %add3A_325, %get3A_330 : vector<16xf32>
        %get3A_332 = arith.constant 378 : index
        %get3A_333 = tpu.vector_load %arg6[%get3A_332] {strides = array<i32>} : memref<704xf32, #tpu.memory_space<vmem>>, vector<16xf32>,
        %add3A_334 = arith.addf %add3A_328, %get3A_333 : vector<16xf32>
        %get3A_335 = arith.constant 395 : index
        %get3A_336 = tpu.vector_load %arg6[%get3A_335] {strides = array<i32>} : memref<704xf32, #tpu.memory_space<vmem>>, vector<16xf32>,
        %add3A_337 = arith.addf %add3A_331, %get3A_336 : vector<16xf32>
        %get3A_338 = arith.constant 411 : index
        %get3A_339 = tpu.vector_load %arg6[%get3A_338] {strides = array<i32>} : memref<704xf32, #tpu.memory_space<vmem>>, vector<16xf32>,
        %add3A_340 = arith.addf %add3A_334, %get3A_339 : vector<16xf32>
        %get3A_341 = arith.constant 428 : index
        %get3A_342 = tpu.vector_load %arg6[%get3A_341] {strides = array<i32>} : memref<704xf32, #tpu.memory_space<vmem>>, vector<16xf32>,
        %add3A_343 = arith.addf %add3A_337, %get3A_342 : vector<16xf32>
        %get3A_344 = arith.constant 444 : index
        %get3A_345 = tpu.vector_load %arg6[%get3A_344] {strides = array<i32>} : memref<704xf32, #tpu.memory_space<vmem>>, vector<16xf32>,
        %add3A_346 = arith.addf %add3A_340, %get3A_345 : vector<16xf32>
        %get3A_347 = arith.constant 461 : index
        %get3A_348 = tpu.vector_load %arg6[%get3A_347] {strides = array<i32>} : memref<704xf32, #tpu.memory_space<vmem>>, vector<16xf32>,
        %add3A_349 = arith.addf %add3A_343, %get3A_348 : vector<16xf32>
        %get3A_350 = arith.constant 477 : index
        %get3A_351 = tpu.vector_load %arg6[%get3A_350] {strides = array<i32>} : memref<704xf32, #tpu.memory_space<vmem>>, vector<16xf32>,
        %add3A_352 = arith.addf %add3A_346, %get3A_351 : vector<16xf32>
        %get3A_353 = arith.constant 494 : index
        %get3A_354 = tpu.vector_load %arg6[%get3A_353] {strides = array<i32>} : memref<704xf32, #tpu.memory_space<vmem>>, vector<16xf32>,
        %add3A_355 = arith.addf %add3A_349, %get3A_354 : vector<16xf32>
        %get3A_356 = arith.constant 510 : index
        %get3A_357 = tpu.vector_load %arg6[%get3A_356] {strides = array<i32>} : memref<704xf32, #tpu.memory_space<vmem>>, vector<16xf32>,
        %add3A_358 = arith.addf %add3A_352, %get3A_357 : vector<16xf32>
        %get3A_359 = arith.constant 527 : index
        %get3A_360 = tpu.vector_load %arg6[%get3A_359] {strides = array<i32>} : memref<704xf32, #tpu.memory_space<vmem>>, vector<16xf32>,
        %add3A_361 = arith.addf %add3A_355, %get3A_360 : vector<16xf32>
        %get3A_362 = arith.constant 543 : index
        %get3A_363 = tpu.vector_load %arg6[%get3A_362] {strides = array<i32>} : memref<704xf32, #tpu.memory_space<vmem>>, vector<16xf32>,
        %add3A_364 = arith.addf %add3A_358, %get3A_363 : vector<16xf32>
        %mul3A_365 = arith.constant 32 : i32
        %mul3A_366 = arith.muli %select_n3A_269, %mul3A_365 : i32
        %add3A_367 = vector.broadcast %mul3A_366 : i32 to vector<16xi32>
        %add3A_368 = arith.addi %select_n3A, %add3A_367 : vector<16xi32>
        tpu.vector_store_idx %arg7[%add3A_368], %add3A_361 : memref<768xf32, #tpu.memory_space<vmem>>[vector<16xi32>], vector<16xf32>,
        %add3A_369 = vector.broadcast %mul3A_366 : i32 to vector<16xi32>
        %add3A_370 = arith.addi %select_n3A_38, %add3A_369 : vector<16xi32>
        tpu.vector_store_idx %arg7[%add3A_370], %add3A_364 : memref<768xf32, #tpu.memory_space<vmem>>[vector<16xi32>], vector<16xf32>,
      } else {
      }
    }
    %scan3A_50 = arith.constant 48 : i32
    %mul3A_51 = arith.constant 24 : i32
    %mul3A_52 = arith.muli %add3A, %mul3A_51 : i32
    %mul3A_53 = arith.constant 32 : i32
    %mul3A_54 = arith.muli %mul3A_52, %mul3A_53 : i32
    "tpu.region"() ({
      %run_scoped3A = tpu.sem_alloc : memref<!tpu.dma_semaphore, #tpu.memory_space<semaphore_mem>>
      %dma_start3A_55 = tpu.memref_slice %arg3[%mul3A_54] : memref<24576xf32, #tpu.memory_space<hbm>> -> memref<768xf32, #tpu.memory_space<hbm>>
      %dma_start3A_56 = tpu.memref_slice %arg3[%mul3A_54] : memref<24576xf32, #tpu.memory_space<hbm>> -> memref<768xf32, #tpu.memory_space<hbm>>
      tpu.enqueue_dma source(%arg7 : memref<768xf32, #tpu.memory_space<vmem>>) target(%dma_start3A_56 : memref<768xf32, #tpu.memory_space<hbm>>) target_semaphore(%run_scoped3A : memref<!tpu.dma_semaphore, #tpu.memory_space<semaphore_mem>>)
      %dma_wait3A = tpu.memref_slice %arg3[%mul3A_54] : memref<24576xf32, #tpu.memory_space<hbm>> -> memref<768xf32, #tpu.memory_space<hbm>>
      %dma_wait3A_57 = tpu.memref_slice %arg3[%mul3A_54] : memref<24576xf32, #tpu.memory_space<hbm>> -> memref<768xf32, #tpu.memory_space<hbm>>
      tpu.wait_dma2 semaphore(%run_scoped3A : memref<!tpu.dma_semaphore, #tpu.memory_space<semaphore_mem>>) src(%arg7 : memref<768xf32, #tpu.memory_space<vmem>>) dst(%dma_wait3A_57 : memref<768xf32, #tpu.memory_space<hbm>>)
      tpu.yield
    }) : () -> ()
    return
  }
}

module attributes {stable_mosaic.version = 14 : i64} {
  func.func @_tc_body(%arg0: i32, %arg1: i32, %arg2: memref<256x4096xf32, #tpu.memory_space<vmem>>, %arg3: memref<256x30xf32, #tpu.memory_space<vmem>>, %arg4: memref<256x30xf32, #tpu.memory_space<vmem>>) attributes {dimension_semantics = [#tpu.dimension_semantics<parallel>, #tpu.dimension_semantics<arbitrary>], iteration_bounds = array<i64: 1, 16>, scalar_prefetch = 0 : i64, scratch_operands = 1 : i64, tpu.core_type = #tpu.core_type<tc>, window_params = [{transform_indices = @transform_0, window_bounds = array<i64: 256, 4096>}, {transform_indices = @transform_1, window_bounds = array<i64: 256, 30>}]} {
    %eq3A = arith.constant 0 : i32
    %eq3A_0 = arith.cmpi eq, %arg1, %eq3A : i32
    %convert_element_type3A = arith.extui %eq3A_0 : i1 to i32
    %cond3A = arith.constant 0 : i32
    %cond3A_1 = arith.cmpi ne, %convert_element_type3A, %cond3A : i32
    scf.if %cond3A_1 {
      %broadcast_in_dim3A = arith.constant 0.000000e+00 : f32
      %broadcast_in_dim3A_251 = vector.broadcast %broadcast_in_dim3A : f32 to vector<256x30xf32>
      %swap3A_252 = arith.constant 0 : index
      %swap3A_253 = arith.constant 0 : index
      %swap3A_254 = vector.load %arg4[%swap3A_252, %swap3A_253] : memref<256x30xf32, #tpu.memory_space<vmem>>, vector<256x30xf32>
      tpu.vector_store %arg4[%swap3A_252, %swap3A_253], %broadcast_in_dim3A_251 {strides = array<i32>} : memref<256x30xf32, #tpu.memory_space<vmem>>, vector<256x30xf32>,
    } else {
    }
    %get3A = arith.constant 0 : index
    %get3A_2 = arith.constant 0 : index
    %get3A_3 = vector.load %arg2[%get3A, %get3A_2] : memref<256x4096xf32, #tpu.memory_space<vmem>>, vector<256x4096xf32>
    %lt3A = arith.constant -6.000000e+00 : f32
    %lt3A_4 = vector.broadcast %lt3A : f32 to vector<256x4096xf32>
    %lt3A_5 = arith.cmpf olt, %get3A_3, %lt3A_4 : vector<256x4096xf32>
    %convert_element_type3A_6 = arith.extui %lt3A_5 : vector<256x4096xi1> to vector<256x4096xi32>
    %convert_element_type3A_7 = arith.sitofp %convert_element_type3A_6 : vector<256x4096xi32> to vector<256x4096xf32>
    %reduce_sum3A = arith.constant dense<0.000000e+00> : vector<256xf32>
    %reduce_sum3A_8 = vector.multi_reduction <add>, %convert_element_type3A_7, %reduce_sum3A [1] : vector<256x4096xf32> to vector<256xf32>
    %ge3A = arith.constant -6.000000e+00 : f32
    %ge3A_9 = vector.broadcast %ge3A : f32 to vector<256x4096xf32>
    %ge3A_10 = arith.cmpf oge, %get3A_3, %ge3A_9 : vector<256x4096xf32>
    %convert_element_type3A_11 = arith.extui %ge3A_10 : vector<256x4096xi1> to vector<256x4096xi32>
    %convert_element_type3A_12 = arith.sitofp %convert_element_type3A_11 : vector<256x4096xi32> to vector<256x4096xf32>
    %reduce_sum3A_13 = arith.constant dense<0.000000e+00> : vector<256xf32>
    %reduce_sum3A_14 = vector.multi_reduction <add>, %convert_element_type3A_12, %reduce_sum3A_13 [1] : vector<256x4096xf32> to vector<256xf32>
    %ge3A_15 = arith.constant -5.57142878 : f32
    %ge3A_16 = vector.broadcast %ge3A_15 : f32 to vector<256x4096xf32>
    %ge3A_17 = arith.cmpf oge, %get3A_3, %ge3A_16 : vector<256x4096xf32>
    %convert_element_type3A_18 = arith.extui %ge3A_17 : vector<256x4096xi1> to vector<256x4096xi32>
    %convert_element_type3A_19 = arith.sitofp %convert_element_type3A_18 : vector<256x4096xi32> to vector<256x4096xf32>
    %reduce_sum3A_20 = arith.constant dense<0.000000e+00> : vector<256xf32>
    %reduce_sum3A_21 = vector.multi_reduction <add>, %convert_element_type3A_19, %reduce_sum3A_20 [1] : vector<256x4096xf32> to vector<256xf32>
    %ge3A_22 = arith.constant -5.14285707 : f32
    %ge3A_23 = vector.broadcast %ge3A_22 : f32 to vector<256x4096xf32>
    %ge3A_24 = arith.cmpf oge, %get3A_3, %ge3A_23 : vector<256x4096xf32>
    %convert_element_type3A_25 = arith.extui %ge3A_24 : vector<256x4096xi1> to vector<256x4096xi32>
    %convert_element_type3A_26 = arith.sitofp %convert_element_type3A_25 : vector<256x4096xi32> to vector<256x4096xf32>
    %reduce_sum3A_27 = arith.constant dense<0.000000e+00> : vector<256xf32>
    %reduce_sum3A_28 = vector.multi_reduction <add>, %convert_element_type3A_26, %reduce_sum3A_27 [1] : vector<256x4096xf32> to vector<256xf32>
    %ge3A_29 = arith.constant -4.71428585 : f32
    %ge3A_30 = vector.broadcast %ge3A_29 : f32 to vector<256x4096xf32>
    %ge3A_31 = arith.cmpf oge, %get3A_3, %ge3A_30 : vector<256x4096xf32>
    %convert_element_type3A_32 = arith.extui %ge3A_31 : vector<256x4096xi1> to vector<256x4096xi32>
    %convert_element_type3A_33 = arith.sitofp %convert_element_type3A_32 : vector<256x4096xi32> to vector<256x4096xf32>
    %reduce_sum3A_34 = arith.constant dense<0.000000e+00> : vector<256xf32>
    %reduce_sum3A_35 = vector.multi_reduction <add>, %convert_element_type3A_33, %reduce_sum3A_34 [1] : vector<256x4096xf32> to vector<256xf32>
    %ge3A_36 = arith.constant -4.28571415 : f32
    %ge3A_37 = vector.broadcast %ge3A_36 : f32 to vector<256x4096xf32>
    %ge3A_38 = arith.cmpf oge, %get3A_3, %ge3A_37 : vector<256x4096xf32>
    %convert_element_type3A_39 = arith.extui %ge3A_38 : vector<256x4096xi1> to vector<256x4096xi32>
    %convert_element_type3A_40 = arith.sitofp %convert_element_type3A_39 : vector<256x4096xi32> to vector<256x4096xf32>
    %reduce_sum3A_41 = arith.constant dense<0.000000e+00> : vector<256xf32>
    %reduce_sum3A_42 = vector.multi_reduction <add>, %convert_element_type3A_40, %reduce_sum3A_41 [1] : vector<256x4096xf32> to vector<256xf32>
    %ge3A_43 = arith.constant -3.85714293 : f32
    %ge3A_44 = vector.broadcast %ge3A_43 : f32 to vector<256x4096xf32>
    %ge3A_45 = arith.cmpf oge, %get3A_3, %ge3A_44 : vector<256x4096xf32>
    %convert_element_type3A_46 = arith.extui %ge3A_45 : vector<256x4096xi1> to vector<256x4096xi32>
    %convert_element_type3A_47 = arith.sitofp %convert_element_type3A_46 : vector<256x4096xi32> to vector<256x4096xf32>
    %reduce_sum3A_48 = arith.constant dense<0.000000e+00> : vector<256xf32>
    %reduce_sum3A_49 = vector.multi_reduction <add>, %convert_element_type3A_47, %reduce_sum3A_48 [1] : vector<256x4096xf32> to vector<256xf32>
    %ge3A_50 = arith.constant -3.42857146 : f32
    %ge3A_51 = vector.broadcast %ge3A_50 : f32 to vector<256x4096xf32>
    %ge3A_52 = arith.cmpf oge, %get3A_3, %ge3A_51 : vector<256x4096xf32>
    %convert_element_type3A_53 = arith.extui %ge3A_52 : vector<256x4096xi1> to vector<256x4096xi32>
    %convert_element_type3A_54 = arith.sitofp %convert_element_type3A_53 : vector<256x4096xi32> to vector<256x4096xf32>
    %reduce_sum3A_55 = arith.constant dense<0.000000e+00> : vector<256xf32>
    %reduce_sum3A_56 = vector.multi_reduction <add>, %convert_element_type3A_54, %reduce_sum3A_55 [1] : vector<256x4096xf32> to vector<256xf32>
    %ge3A_57 = arith.constant -3.000000e+00 : f32
    %ge3A_58 = vector.broadcast %ge3A_57 : f32 to vector<256x4096xf32>
    %ge3A_59 = arith.cmpf oge, %get3A_3, %ge3A_58 : vector<256x4096xf32>
    %convert_element_type3A_60 = arith.extui %ge3A_59 : vector<256x4096xi1> to vector<256x4096xi32>
    %convert_element_type3A_61 = arith.sitofp %convert_element_type3A_60 : vector<256x4096xi32> to vector<256x4096xf32>
    %reduce_sum3A_62 = arith.constant dense<0.000000e+00> : vector<256xf32>
    %reduce_sum3A_63 = vector.multi_reduction <add>, %convert_element_type3A_61, %reduce_sum3A_62 [1] : vector<256x4096xf32> to vector<256xf32>
    %ge3A_64 = arith.constant -2.57142854 : f32
    %ge3A_65 = vector.broadcast %ge3A_64 : f32 to vector<256x4096xf32>
    %ge3A_66 = arith.cmpf oge, %get3A_3, %ge3A_65 : vector<256x4096xf32>
    %convert_element_type3A_67 = arith.extui %ge3A_66 : vector<256x4096xi1> to vector<256x4096xi32>
    %convert_element_type3A_68 = arith.sitofp %convert_element_type3A_67 : vector<256x4096xi32> to vector<256x4096xf32>
    %reduce_sum3A_69 = arith.constant dense<0.000000e+00> : vector<256xf32>
    %reduce_sum3A_70 = vector.multi_reduction <add>, %convert_element_type3A_68, %reduce_sum3A_69 [1] : vector<256x4096xf32> to vector<256xf32>
    %ge3A_71 = arith.constant -2.14285707 : f32
    %ge3A_72 = vector.broadcast %ge3A_71 : f32 to vector<256x4096xf32>
    %ge3A_73 = arith.cmpf oge, %get3A_3, %ge3A_72 : vector<256x4096xf32>
    %convert_element_type3A_74 = arith.extui %ge3A_73 : vector<256x4096xi1> to vector<256x4096xi32>
    %convert_element_type3A_75 = arith.sitofp %convert_element_type3A_74 : vector<256x4096xi32> to vector<256x4096xf32>
    %reduce_sum3A_76 = arith.constant dense<0.000000e+00> : vector<256xf32>
    %reduce_sum3A_77 = vector.multi_reduction <add>, %convert_element_type3A_75, %reduce_sum3A_76 [1] : vector<256x4096xf32> to vector<256xf32>
    %ge3A_78 = arith.constant -1.71428573 : f32
    %ge3A_79 = vector.broadcast %ge3A_78 : f32 to vector<256x4096xf32>
    %ge3A_80 = arith.cmpf oge, %get3A_3, %ge3A_79 : vector<256x4096xf32>
    %convert_element_type3A_81 = arith.extui %ge3A_80 : vector<256x4096xi1> to vector<256x4096xi32>
    %convert_element_type3A_82 = arith.sitofp %convert_element_type3A_81 : vector<256x4096xi32> to vector<256x4096xf32>
    %reduce_sum3A_83 = arith.constant dense<0.000000e+00> : vector<256xf32>
    %reduce_sum3A_84 = vector.multi_reduction <add>, %convert_element_type3A_82, %reduce_sum3A_83 [1] : vector<256x4096xf32> to vector<256xf32>
    %ge3A_85 = arith.constant -1.28571427 : f32
    %ge3A_86 = vector.broadcast %ge3A_85 : f32 to vector<256x4096xf32>
    %ge3A_87 = arith.cmpf oge, %get3A_3, %ge3A_86 : vector<256x4096xf32>
    %convert_element_type3A_88 = arith.extui %ge3A_87 : vector<256x4096xi1> to vector<256x4096xi32>
    %convert_element_type3A_89 = arith.sitofp %convert_element_type3A_88 : vector<256x4096xi32> to vector<256x4096xf32>
    %reduce_sum3A_90 = arith.constant dense<0.000000e+00> : vector<256xf32>
    %reduce_sum3A_91 = vector.multi_reduction <add>, %convert_element_type3A_89, %reduce_sum3A_90 [1] : vector<256x4096xf32> to vector<256xf32>
    %ge3A_92 = arith.constant -0.857142865 : f32
    %ge3A_93 = vector.broadcast %ge3A_92 : f32 to vector<256x4096xf32>
    %ge3A_94 = arith.cmpf oge, %get3A_3, %ge3A_93 : vector<256x4096xf32>
    %convert_element_type3A_95 = arith.extui %ge3A_94 : vector<256x4096xi1> to vector<256x4096xi32>
    %convert_element_type3A_96 = arith.sitofp %convert_element_type3A_95 : vector<256x4096xi32> to vector<256x4096xf32>
    %reduce_sum3A_97 = arith.constant dense<0.000000e+00> : vector<256xf32>
    %reduce_sum3A_98 = vector.multi_reduction <add>, %convert_element_type3A_96, %reduce_sum3A_97 [1] : vector<256x4096xf32> to vector<256xf32>
    %ge3A_99 = arith.constant -0.428571433 : f32
    %ge3A_100 = vector.broadcast %ge3A_99 : f32 to vector<256x4096xf32>
    %ge3A_101 = arith.cmpf oge, %get3A_3, %ge3A_100 : vector<256x4096xf32>
    %convert_element_type3A_102 = arith.extui %ge3A_101 : vector<256x4096xi1> to vector<256x4096xi32>
    %convert_element_type3A_103 = arith.sitofp %convert_element_type3A_102 : vector<256x4096xi32> to vector<256x4096xf32>
    %reduce_sum3A_104 = arith.constant dense<0.000000e+00> : vector<256xf32>
    %reduce_sum3A_105 = vector.multi_reduction <add>, %convert_element_type3A_103, %reduce_sum3A_104 [1] : vector<256x4096xf32> to vector<256xf32>
    %ge3A_106 = arith.constant 1.11022302E-16 : f32
    %ge3A_107 = vector.broadcast %ge3A_106 : f32 to vector<256x4096xf32>
    %ge3A_108 = arith.cmpf oge, %get3A_3, %ge3A_107 : vector<256x4096xf32>
    %convert_element_type3A_109 = arith.extui %ge3A_108 : vector<256x4096xi1> to vector<256x4096xi32>
    %convert_element_type3A_110 = arith.sitofp %convert_element_type3A_109 : vector<256x4096xi32> to vector<256x4096xf32>
    %reduce_sum3A_111 = arith.constant dense<0.000000e+00> : vector<256xf32>
    %reduce_sum3A_112 = vector.multi_reduction <add>, %convert_element_type3A_110, %reduce_sum3A_111 [1] : vector<256x4096xf32> to vector<256xf32>
    %ge3A_113 = arith.constant 0.428571433 : f32
    %ge3A_114 = vector.broadcast %ge3A_113 : f32 to vector<256x4096xf32>
    %ge3A_115 = arith.cmpf oge, %get3A_3, %ge3A_114 : vector<256x4096xf32>
    %convert_element_type3A_116 = arith.extui %ge3A_115 : vector<256x4096xi1> to vector<256x4096xi32>
    %convert_element_type3A_117 = arith.sitofp %convert_element_type3A_116 : vector<256x4096xi32> to vector<256x4096xf32>
    %reduce_sum3A_118 = arith.constant dense<0.000000e+00> : vector<256xf32>
    %reduce_sum3A_119 = vector.multi_reduction <add>, %convert_element_type3A_117, %reduce_sum3A_118 [1] : vector<256x4096xf32> to vector<256xf32>
    %ge3A_120 = arith.constant 0.857142865 : f32
    %ge3A_121 = vector.broadcast %ge3A_120 : f32 to vector<256x4096xf32>
    %ge3A_122 = arith.cmpf oge, %get3A_3, %ge3A_121 : vector<256x4096xf32>
    %convert_element_type3A_123 = arith.extui %ge3A_122 : vector<256x4096xi1> to vector<256x4096xi32>
    %convert_element_type3A_124 = arith.sitofp %convert_element_type3A_123 : vector<256x4096xi32> to vector<256x4096xf32>
    %reduce_sum3A_125 = arith.constant dense<0.000000e+00> : vector<256xf32>
    %reduce_sum3A_126 = vector.multi_reduction <add>, %convert_element_type3A_124, %reduce_sum3A_125 [1] : vector<256x4096xf32> to vector<256xf32>
    %ge3A_127 = arith.constant 1.28571427 : f32
    %ge3A_128 = vector.broadcast %ge3A_127 : f32 to vector<256x4096xf32>
    %ge3A_129 = arith.cmpf oge, %get3A_3, %ge3A_128 : vector<256x4096xf32>
    %convert_element_type3A_130 = arith.extui %ge3A_129 : vector<256x4096xi1> to vector<256x4096xi32>
    %convert_element_type3A_131 = arith.sitofp %convert_element_type3A_130 : vector<256x4096xi32> to vector<256x4096xf32>
    %reduce_sum3A_132 = arith.constant dense<0.000000e+00> : vector<256xf32>
    %reduce_sum3A_133 = vector.multi_reduction <add>, %convert_element_type3A_131, %reduce_sum3A_132 [1] : vector<256x4096xf32> to vector<256xf32>
    %ge3A_134 = arith.constant 1.71428573 : f32
    %ge3A_135 = vector.broadcast %ge3A_134 : f32 to vector<256x4096xf32>
    %ge3A_136 = arith.cmpf oge, %get3A_3, %ge3A_135 : vector<256x4096xf32>
    %convert_element_type3A_137 = arith.extui %ge3A_136 : vector<256x4096xi1> to vector<256x4096xi32>
    %convert_element_type3A_138 = arith.sitofp %convert_element_type3A_137 : vector<256x4096xi32> to vector<256x4096xf32>
    %reduce_sum3A_139 = arith.constant dense<0.000000e+00> : vector<256xf32>
    %reduce_sum3A_140 = vector.multi_reduction <add>, %convert_element_type3A_138, %reduce_sum3A_139 [1] : vector<256x4096xf32> to vector<256xf32>
    %ge3A_141 = arith.constant 2.14285707 : f32
    %ge3A_142 = vector.broadcast %ge3A_141 : f32 to vector<256x4096xf32>
    %ge3A_143 = arith.cmpf oge, %get3A_3, %ge3A_142 : vector<256x4096xf32>
    %convert_element_type3A_144 = arith.extui %ge3A_143 : vector<256x4096xi1> to vector<256x4096xi32>
    %convert_element_type3A_145 = arith.sitofp %convert_element_type3A_144 : vector<256x4096xi32> to vector<256x4096xf32>
    %reduce_sum3A_146 = arith.constant dense<0.000000e+00> : vector<256xf32>
    %reduce_sum3A_147 = vector.multi_reduction <add>, %convert_element_type3A_145, %reduce_sum3A_146 [1] : vector<256x4096xf32> to vector<256xf32>
    %ge3A_148 = arith.constant 2.57142854 : f32
    %ge3A_149 = vector.broadcast %ge3A_148 : f32 to vector<256x4096xf32>
    %ge3A_150 = arith.cmpf oge, %get3A_3, %ge3A_149 : vector<256x4096xf32>
    %convert_element_type3A_151 = arith.extui %ge3A_150 : vector<256x4096xi1> to vector<256x4096xi32>
    %convert_element_type3A_152 = arith.sitofp %convert_element_type3A_151 : vector<256x4096xi32> to vector<256x4096xf32>
    %reduce_sum3A_153 = arith.constant dense<0.000000e+00> : vector<256xf32>
    %reduce_sum3A_154 = vector.multi_reduction <add>, %convert_element_type3A_152, %reduce_sum3A_153 [1] : vector<256x4096xf32> to vector<256xf32>
    %ge3A_155 = arith.constant 3.000000e+00 : f32
    %ge3A_156 = vector.broadcast %ge3A_155 : f32 to vector<256x4096xf32>
    %ge3A_157 = arith.cmpf oge, %get3A_3, %ge3A_156 : vector<256x4096xf32>
    %convert_element_type3A_158 = arith.extui %ge3A_157 : vector<256x4096xi1> to vector<256x4096xi32>
    %convert_element_type3A_159 = arith.sitofp %convert_element_type3A_158 : vector<256x4096xi32> to vector<256x4096xf32>
    %reduce_sum3A_160 = arith.constant dense<0.000000e+00> : vector<256xf32>
    %reduce_sum3A_161 = vector.multi_reduction <add>, %convert_element_type3A_159, %reduce_sum3A_160 [1] : vector<256x4096xf32> to vector<256xf32>
    %ge3A_162 = arith.constant 3.42857146 : f32
    %ge3A_163 = vector.broadcast %ge3A_162 : f32 to vector<256x4096xf32>
    %ge3A_164 = arith.cmpf oge, %get3A_3, %ge3A_163 : vector<256x4096xf32>
    %convert_element_type3A_165 = arith.extui %ge3A_164 : vector<256x4096xi1> to vector<256x4096xi32>
    %convert_element_type3A_166 = arith.sitofp %convert_element_type3A_165 : vector<256x4096xi32> to vector<256x4096xf32>
    %reduce_sum3A_167 = arith.constant dense<0.000000e+00> : vector<256xf32>
    %reduce_sum3A_168 = vector.multi_reduction <add>, %convert_element_type3A_166, %reduce_sum3A_167 [1] : vector<256x4096xf32> to vector<256xf32>
    %ge3A_169 = arith.constant 3.85714293 : f32
    %ge3A_170 = vector.broadcast %ge3A_169 : f32 to vector<256x4096xf32>
    %ge3A_171 = arith.cmpf oge, %get3A_3, %ge3A_170 : vector<256x4096xf32>
    %convert_element_type3A_172 = arith.extui %ge3A_171 : vector<256x4096xi1> to vector<256x4096xi32>
    %convert_element_type3A_173 = arith.sitofp %convert_element_type3A_172 : vector<256x4096xi32> to vector<256x4096xf32>
    %reduce_sum3A_174 = arith.constant dense<0.000000e+00> : vector<256xf32>
    %reduce_sum3A_175 = vector.multi_reduction <add>, %convert_element_type3A_173, %reduce_sum3A_174 [1] : vector<256x4096xf32> to vector<256xf32>
    %ge3A_176 = arith.constant 4.28571415 : f32
    %ge3A_177 = vector.broadcast %ge3A_176 : f32 to vector<256x4096xf32>
    %ge3A_178 = arith.cmpf oge, %get3A_3, %ge3A_177 : vector<256x4096xf32>
    %convert_element_type3A_179 = arith.extui %ge3A_178 : vector<256x4096xi1> to vector<256x4096xi32>
    %convert_element_type3A_180 = arith.sitofp %convert_element_type3A_179 : vector<256x4096xi32> to vector<256x4096xf32>
    %reduce_sum3A_181 = arith.constant dense<0.000000e+00> : vector<256xf32>
    %reduce_sum3A_182 = vector.multi_reduction <add>, %convert_element_type3A_180, %reduce_sum3A_181 [1] : vector<256x4096xf32> to vector<256xf32>
    %ge3A_183 = arith.constant 4.71428585 : f32
    %ge3A_184 = vector.broadcast %ge3A_183 : f32 to vector<256x4096xf32>
    %ge3A_185 = arith.cmpf oge, %get3A_3, %ge3A_184 : vector<256x4096xf32>
    %convert_element_type3A_186 = arith.extui %ge3A_185 : vector<256x4096xi1> to vector<256x4096xi32>
    %convert_element_type3A_187 = arith.sitofp %convert_element_type3A_186 : vector<256x4096xi32> to vector<256x4096xf32>
    %reduce_sum3A_188 = arith.constant dense<0.000000e+00> : vector<256xf32>
    %reduce_sum3A_189 = vector.multi_reduction <add>, %convert_element_type3A_187, %reduce_sum3A_188 [1] : vector<256x4096xf32> to vector<256xf32>
    %ge3A_190 = arith.constant 5.14285707 : f32
    %ge3A_191 = vector.broadcast %ge3A_190 : f32 to vector<256x4096xf32>
    %ge3A_192 = arith.cmpf oge, %get3A_3, %ge3A_191 : vector<256x4096xf32>
    %convert_element_type3A_193 = arith.extui %ge3A_192 : vector<256x4096xi1> to vector<256x4096xi32>
    %convert_element_type3A_194 = arith.sitofp %convert_element_type3A_193 : vector<256x4096xi32> to vector<256x4096xf32>
    %reduce_sum3A_195 = arith.constant dense<0.000000e+00> : vector<256xf32>
    %reduce_sum3A_196 = vector.multi_reduction <add>, %convert_element_type3A_194, %reduce_sum3A_195 [1] : vector<256x4096xf32> to vector<256xf32>
    %ge3A_197 = arith.constant 5.57142878 : f32
    %ge3A_198 = vector.broadcast %ge3A_197 : f32 to vector<256x4096xf32>
    %ge3A_199 = arith.cmpf oge, %get3A_3, %ge3A_198 : vector<256x4096xf32>
    %convert_element_type3A_200 = arith.extui %ge3A_199 : vector<256x4096xi1> to vector<256x4096xi32>
    %convert_element_type3A_201 = arith.sitofp %convert_element_type3A_200 : vector<256x4096xi32> to vector<256x4096xf32>
    %reduce_sum3A_202 = arith.constant dense<0.000000e+00> : vector<256xf32>
    %reduce_sum3A_203 = vector.multi_reduction <add>, %convert_element_type3A_201, %reduce_sum3A_202 [1] : vector<256x4096xf32> to vector<256xf32>
    %ge3A_204 = arith.constant 6.000000e+00 : f32
    %ge3A_205 = vector.broadcast %ge3A_204 : f32 to vector<256x4096xf32>
    %ge3A_206 = arith.cmpf oge, %get3A_3, %ge3A_205 : vector<256x4096xf32>
    %convert_element_type3A_207 = arith.extui %ge3A_206 : vector<256x4096xi1> to vector<256x4096xi32>
    %convert_element_type3A_208 = arith.sitofp %convert_element_type3A_207 : vector<256x4096xi32> to vector<256x4096xf32>
    %reduce_sum3A_209 = arith.constant dense<0.000000e+00> : vector<256xf32>
    %reduce_sum3A_210 = vector.multi_reduction <add>, %convert_element_type3A_208, %reduce_sum3A_209 [1] : vector<256x4096xf32> to vector<256xf32>
    %get3A_211 = arith.constant 0 : index
    %get3A_212 = arith.constant 0 : index
    %get3A_213 = vector.load %arg4[%get3A_211, %get3A_212] : memref<256x30xf32, #tpu.memory_space<vmem>>, vector<256x30xf32>
    %stack3A = vector.shape_cast %reduce_sum3A_8 : vector<256xf32> to vector<256x1xf32>
    %stack3A_214 = vector.shape_cast %reduce_sum3A_14 : vector<256xf32> to vector<256x1xf32>
    %stack3A_215 = vector.shape_cast %reduce_sum3A_21 : vector<256xf32> to vector<256x1xf32>
    %stack3A_216 = vector.shape_cast %reduce_sum3A_28 : vector<256xf32> to vector<256x1xf32>
    %stack3A_217 = vector.shape_cast %reduce_sum3A_35 : vector<256xf32> to vector<256x1xf32>
    %stack3A_218 = vector.shape_cast %reduce_sum3A_42 : vector<256xf32> to vector<256x1xf32>
    %stack3A_219 = vector.shape_cast %reduce_sum3A_49 : vector<256xf32> to vector<256x1xf32>
    %stack3A_220 = vector.shape_cast %reduce_sum3A_56 : vector<256xf32> to vector<256x1xf32>
    %stack3A_221 = vector.shape_cast %reduce_sum3A_63 : vector<256xf32> to vector<256x1xf32>
    %stack3A_222 = vector.shape_cast %reduce_sum3A_70 : vector<256xf32> to vector<256x1xf32>
    %stack3A_223 = vector.shape_cast %reduce_sum3A_77 : vector<256xf32> to vector<256x1xf32>
    %stack3A_224 = vector.shape_cast %reduce_sum3A_84 : vector<256xf32> to vector<256x1xf32>
    %stack3A_225 = vector.shape_cast %reduce_sum3A_91 : vector<256xf32> to vector<256x1xf32>
    %stack3A_226 = vector.shape_cast %reduce_sum3A_98 : vector<256xf32> to vector<256x1xf32>
    %stack3A_227 = vector.shape_cast %reduce_sum3A_105 : vector<256xf32> to vector<256x1xf32>
    %stack3A_228 = vector.shape_cast %reduce_sum3A_112 : vector<256xf32> to vector<256x1xf32>
    %stack3A_229 = vector.shape_cast %reduce_sum3A_119 : vector<256xf32> to vector<256x1xf32>
    %stack3A_230 = vector.shape_cast %reduce_sum3A_126 : vector<256xf32> to vector<256x1xf32>
    %stack3A_231 = vector.shape_cast %reduce_sum3A_133 : vector<256xf32> to vector<256x1xf32>
    %stack3A_232 = vector.shape_cast %reduce_sum3A_140 : vector<256xf32> to vector<256x1xf32>
    %stack3A_233 = vector.shape_cast %reduce_sum3A_147 : vector<256xf32> to vector<256x1xf32>
    %stack3A_234 = vector.shape_cast %reduce_sum3A_154 : vector<256xf32> to vector<256x1xf32>
    %stack3A_235 = vector.shape_cast %reduce_sum3A_161 : vector<256xf32> to vector<256x1xf32>
    %stack3A_236 = vector.shape_cast %reduce_sum3A_168 : vector<256xf32> to vector<256x1xf32>
    %stack3A_237 = vector.shape_cast %reduce_sum3A_175 : vector<256xf32> to vector<256x1xf32>
    %stack3A_238 = vector.shape_cast %reduce_sum3A_182 : vector<256xf32> to vector<256x1xf32>
    %stack3A_239 = vector.shape_cast %reduce_sum3A_189 : vector<256xf32> to vector<256x1xf32>
    %stack3A_240 = vector.shape_cast %reduce_sum3A_196 : vector<256xf32> to vector<256x1xf32>
    %stack3A_241 = vector.shape_cast %reduce_sum3A_203 : vector<256xf32> to vector<256x1xf32>
    %stack3A_242 = vector.shape_cast %reduce_sum3A_210 : vector<256xf32> to vector<256x1xf32>
    %stack3A_243 = tpu.concatenate %stack3A, %stack3A_214, %stack3A_215, %stack3A_216, %stack3A_217, %stack3A_218, %stack3A_219, %stack3A_220, %stack3A_221, %stack3A_222, %stack3A_223, %stack3A_224, %stack3A_225, %stack3A_226, %stack3A_227, %stack3A_228, %stack3A_229, %stack3A_230, %stack3A_231, %stack3A_232, %stack3A_233, %stack3A_234, %stack3A_235, %stack3A_236, %stack3A_237, %stack3A_238, %stack3A_239, %stack3A_240, %stack3A_241, %stack3A_242 in 1 : vector<256x1xf32>, vector<256x1xf32>, vector<256x1xf32>, vector<256x1xf32>, vector<256x1xf32>, vector<256x1xf32>, vector<256x1xf32>, vector<256x1xf32>, vector<256x1xf32>, vector<256x1xf32>, vector<256x1xf32>, vector<256x1xf32>, vector<256x1xf32>, vector<256x1xf32>, vector<256x1xf32>, vector<256x1xf32>, vector<256x1xf32>, vector<256x1xf32>, vector<256x1xf32>, vector<256x1xf32>, vector<256x1xf32>, vector<256x1xf32>, vector<256x1xf32>, vector<256x1xf32>, vector<256x1xf32>, vector<256x1xf32>, vector<256x1xf32>, vector<256x1xf32>, vector<256x1xf32>, vector<256x1xf32> -> vector<256x30xf32>
    %add3A = arith.addf %get3A_213, %stack3A_243 : vector<256x30xf32>
    %swap3A = arith.constant 0 : index
    %swap3A_244 = arith.constant 0 : index
    %swap3A_245 = vector.load %arg4[%swap3A, %swap3A_244] : memref<256x30xf32, #tpu.memory_space<vmem>>, vector<256x30xf32>
    tpu.vector_store %arg4[%swap3A, %swap3A_244], %add3A {strides = array<i32>} : memref<256x30xf32, #tpu.memory_space<vmem>>, vector<256x30xf32>,
    %eq3A_246 = arith.constant 15 : i32
    %eq3A_247 = arith.cmpi eq, %arg1, %eq3A_246 : i32
    %convert_element_type3A_248 = arith.extui %eq3A_247 : i1 to i32
    %cond3A_249 = arith.constant 0 : i32
    %cond3A_250 = arith.cmpi ne, %convert_element_type3A_248, %cond3A_249 : i32
    scf.if %cond3A_250 {
      %get3A_251 = arith.constant 0 : index
      %get3A_252 = arith.constant 0 : index
      %get3A_253 = vector.load %arg4[%get3A_251, %get3A_252] : memref<256x30xf32, #tpu.memory_space<vmem>>, vector<256x30xf32>
      %slice3A = vector.extract_strided_slice %get3A_253 {offsets = [0, 0], sizes = [256, 1], strides = [1, 1]} : vector<256x30xf32> to vector<256x1xf32>
      %squeeze3A = vector.shape_cast %slice3A : vector<256x1xf32> to vector<256xf32>
      %slice3A_254 = vector.extract_strided_slice %get3A_253 {offsets = [0, 29], sizes = [256, 1], strides = [1, 1]} : vector<256x30xf32> to vector<256x1xf32>
      %squeeze3A_255 = vector.shape_cast %slice3A_254 : vector<256x1xf32> to vector<256xf32>
      %slice3A_256 = vector.extract_strided_slice %get3A_253 {offsets = [0, 1], sizes = [256, 1], strides = [1, 1]} : vector<256x30xf32> to vector<256x1xf32>
      %squeeze3A_257 = vector.shape_cast %slice3A_256 : vector<256x1xf32> to vector<256xf32>
      %slice3A_258 = vector.extract_strided_slice %get3A_253 {offsets = [0, 2], sizes = [256, 1], strides = [1, 1]} : vector<256x30xf32> to vector<256x1xf32>
      %squeeze3A_259 = vector.shape_cast %slice3A_258 : vector<256x1xf32> to vector<256xf32>
      %sub3A = arith.subf %squeeze3A_257, %squeeze3A_259 : vector<256xf32>
      %slice3A_260 = vector.extract_strided_slice %get3A_253 {offsets = [0, 2], sizes = [256, 1], strides = [1, 1]} : vector<256x30xf32> to vector<256x1xf32>
      %squeeze3A_261 = vector.shape_cast %slice3A_260 : vector<256x1xf32> to vector<256xf32>
      %slice3A_262 = vector.extract_strided_slice %get3A_253 {offsets = [0, 3], sizes = [256, 1], strides = [1, 1]} : vector<256x30xf32> to vector<256x1xf32>
      %squeeze3A_263 = vector.shape_cast %slice3A_262 : vector<256x1xf32> to vector<256xf32>
      %sub3A_264 = arith.subf %squeeze3A_261, %squeeze3A_263 : vector<256xf32>
      %slice3A_265 = vector.extract_strided_slice %get3A_253 {offsets = [0, 3], sizes = [256, 1], strides = [1, 1]} : vector<256x30xf32> to vector<256x1xf32>
      %squeeze3A_266 = vector.shape_cast %slice3A_265 : vector<256x1xf32> to vector<256xf32>
      %slice3A_267 = vector.extract_strided_slice %get3A_253 {offsets = [0, 4], sizes = [256, 1], strides = [1, 1]} : vector<256x30xf32> to vector<256x1xf32>
      %squeeze3A_268 = vector.shape_cast %slice3A_267 : vector<256x1xf32> to vector<256xf32>
      %sub3A_269 = arith.subf %squeeze3A_266, %squeeze3A_268 : vector<256xf32>
      %slice3A_270 = vector.extract_strided_slice %get3A_253 {offsets = [0, 4], sizes = [256, 1], strides = [1, 1]} : vector<256x30xf32> to vector<256x1xf32>
      %squeeze3A_271 = vector.shape_cast %slice3A_270 : vector<256x1xf32> to vector<256xf32>
      %slice3A_272 = vector.extract_strided_slice %get3A_253 {offsets = [0, 5], sizes = [256, 1], strides = [1, 1]} : vector<256x30xf32> to vector<256x1xf32>
      %squeeze3A_273 = vector.shape_cast %slice3A_272 : vector<256x1xf32> to vector<256xf32>
      %sub3A_274 = arith.subf %squeeze3A_271, %squeeze3A_273 : vector<256xf32>
      %slice3A_275 = vector.extract_strided_slice %get3A_253 {offsets = [0, 5], sizes = [256, 1], strides = [1, 1]} : vector<256x30xf32> to vector<256x1xf32>
      %squeeze3A_276 = vector.shape_cast %slice3A_275 : vector<256x1xf32> to vector<256xf32>
      %slice3A_277 = vector.extract_strided_slice %get3A_253 {offsets = [0, 6], sizes = [256, 1], strides = [1, 1]} : vector<256x30xf32> to vector<256x1xf32>
      %squeeze3A_278 = vector.shape_cast %slice3A_277 : vector<256x1xf32> to vector<256xf32>
      %sub3A_279 = arith.subf %squeeze3A_276, %squeeze3A_278 : vector<256xf32>
      %slice3A_280 = vector.extract_strided_slice %get3A_253 {offsets = [0, 6], sizes = [256, 1], strides = [1, 1]} : vector<256x30xf32> to vector<256x1xf32>
      %squeeze3A_281 = vector.shape_cast %slice3A_280 : vector<256x1xf32> to vector<256xf32>
      %slice3A_282 = vector.extract_strided_slice %get3A_253 {offsets = [0, 7], sizes = [256, 1], strides = [1, 1]} : vector<256x30xf32> to vector<256x1xf32>
      %squeeze3A_283 = vector.shape_cast %slice3A_282 : vector<256x1xf32> to vector<256xf32>
      %sub3A_284 = arith.subf %squeeze3A_281, %squeeze3A_283 : vector<256xf32>
      %slice3A_285 = vector.extract_strided_slice %get3A_253 {offsets = [0, 7], sizes = [256, 1], strides = [1, 1]} : vector<256x30xf32> to vector<256x1xf32>
      %squeeze3A_286 = vector.shape_cast %slice3A_285 : vector<256x1xf32> to vector<256xf32>
      %slice3A_287 = vector.extract_strided_slice %get3A_253 {offsets = [0, 8], sizes = [256, 1], strides = [1, 1]} : vector<256x30xf32> to vector<256x1xf32>
      %squeeze3A_288 = vector.shape_cast %slice3A_287 : vector<256x1xf32> to vector<256xf32>
      %sub3A_289 = arith.subf %squeeze3A_286, %squeeze3A_288 : vector<256xf32>
      %slice3A_290 = vector.extract_strided_slice %get3A_253 {offsets = [0, 8], sizes = [256, 1], strides = [1, 1]} : vector<256x30xf32> to vector<256x1xf32>
      %squeeze3A_291 = vector.shape_cast %slice3A_290 : vector<256x1xf32> to vector<256xf32>
      %slice3A_292 = vector.extract_strided_slice %get3A_253 {offsets = [0, 9], sizes = [256, 1], strides = [1, 1]} : vector<256x30xf32> to vector<256x1xf32>
      %squeeze3A_293 = vector.shape_cast %slice3A_292 : vector<256x1xf32> to vector<256xf32>
      %sub3A_294 = arith.subf %squeeze3A_291, %squeeze3A_293 : vector<256xf32>
      %slice3A_295 = vector.extract_strided_slice %get3A_253 {offsets = [0, 9], sizes = [256, 1], strides = [1, 1]} : vector<256x30xf32> to vector<256x1xf32>
      %squeeze3A_296 = vector.shape_cast %slice3A_295 : vector<256x1xf32> to vector<256xf32>
      %slice3A_297 = vector.extract_strided_slice %get3A_253 {offsets = [0, 10], sizes = [256, 1], strides = [1, 1]} : vector<256x30xf32> to vector<256x1xf32>
      %squeeze3A_298 = vector.shape_cast %slice3A_297 : vector<256x1xf32> to vector<256xf32>
      %sub3A_299 = arith.subf %squeeze3A_296, %squeeze3A_298 : vector<256xf32>
      %slice3A_300 = vector.extract_strided_slice %get3A_253 {offsets = [0, 10], sizes = [256, 1], strides = [1, 1]} : vector<256x30xf32> to vector<256x1xf32>
      %squeeze3A_301 = vector.shape_cast %slice3A_300 : vector<256x1xf32> to vector<256xf32>
      %slice3A_302 = vector.extract_strided_slice %get3A_253 {offsets = [0, 11], sizes = [256, 1], strides = [1, 1]} : vector<256x30xf32> to vector<256x1xf32>
      %squeeze3A_303 = vector.shape_cast %slice3A_302 : vector<256x1xf32> to vector<256xf32>
      %sub3A_304 = arith.subf %squeeze3A_301, %squeeze3A_303 : vector<256xf32>
      %slice3A_305 = vector.extract_strided_slice %get3A_253 {offsets = [0, 11], sizes = [256, 1], strides = [1, 1]} : vector<256x30xf32> to vector<256x1xf32>
      %squeeze3A_306 = vector.shape_cast %slice3A_305 : vector<256x1xf32> to vector<256xf32>
      %slice3A_307 = vector.extract_strided_slice %get3A_253 {offsets = [0, 12], sizes = [256, 1], strides = [1, 1]} : vector<256x30xf32> to vector<256x1xf32>
      %squeeze3A_308 = vector.shape_cast %slice3A_307 : vector<256x1xf32> to vector<256xf32>
      %sub3A_309 = arith.subf %squeeze3A_306, %squeeze3A_308 : vector<256xf32>
      %slice3A_310 = vector.extract_strided_slice %get3A_253 {offsets = [0, 12], sizes = [256, 1], strides = [1, 1]} : vector<256x30xf32> to vector<256x1xf32>
      %squeeze3A_311 = vector.shape_cast %slice3A_310 : vector<256x1xf32> to vector<256xf32>
      %slice3A_312 = vector.extract_strided_slice %get3A_253 {offsets = [0, 13], sizes = [256, 1], strides = [1, 1]} : vector<256x30xf32> to vector<256x1xf32>
      %squeeze3A_313 = vector.shape_cast %slice3A_312 : vector<256x1xf32> to vector<256xf32>
      %sub3A_314 = arith.subf %squeeze3A_311, %squeeze3A_313 : vector<256xf32>
      %slice3A_315 = vector.extract_strided_slice %get3A_253 {offsets = [0, 13], sizes = [256, 1], strides = [1, 1]} : vector<256x30xf32> to vector<256x1xf32>
      %squeeze3A_316 = vector.shape_cast %slice3A_315 : vector<256x1xf32> to vector<256xf32>
      %slice3A_317 = vector.extract_strided_slice %get3A_253 {offsets = [0, 14], sizes = [256, 1], strides = [1, 1]} : vector<256x30xf32> to vector<256x1xf32>
      %squeeze3A_318 = vector.shape_cast %slice3A_317 : vector<256x1xf32> to vector<256xf32>
      %sub3A_319 = arith.subf %squeeze3A_316, %squeeze3A_318 : vector<256xf32>
      %slice3A_320 = vector.extract_strided_slice %get3A_253 {offsets = [0, 14], sizes = [256, 1], strides = [1, 1]} : vector<256x30xf32> to vector<256x1xf32>
      %squeeze3A_321 = vector.shape_cast %slice3A_320 : vector<256x1xf32> to vector<256xf32>
      %slice3A_322 = vector.extract_strided_slice %get3A_253 {offsets = [0, 15], sizes = [256, 1], strides = [1, 1]} : vector<256x30xf32> to vector<256x1xf32>
      %squeeze3A_323 = vector.shape_cast %slice3A_322 : vector<256x1xf32> to vector<256xf32>
      %sub3A_324 = arith.subf %squeeze3A_321, %squeeze3A_323 : vector<256xf32>
      %slice3A_325 = vector.extract_strided_slice %get3A_253 {offsets = [0, 15], sizes = [256, 1], strides = [1, 1]} : vector<256x30xf32> to vector<256x1xf32>
      %squeeze3A_326 = vector.shape_cast %slice3A_325 : vector<256x1xf32> to vector<256xf32>
      %slice3A_327 = vector.extract_strided_slice %get3A_253 {offsets = [0, 16], sizes = [256, 1], strides = [1, 1]} : vector<256x30xf32> to vector<256x1xf32>
      %squeeze3A_328 = vector.shape_cast %slice3A_327 : vector<256x1xf32> to vector<256xf32>
      %sub3A_329 = arith.subf %squeeze3A_326, %squeeze3A_328 : vector<256xf32>
      %slice3A_330 = vector.extract_strided_slice %get3A_253 {offsets = [0, 16], sizes = [256, 1], strides = [1, 1]} : vector<256x30xf32> to vector<256x1xf32>
      %squeeze3A_331 = vector.shape_cast %slice3A_330 : vector<256x1xf32> to vector<256xf32>
      %slice3A_332 = vector.extract_strided_slice %get3A_253 {offsets = [0, 17], sizes = [256, 1], strides = [1, 1]} : vector<256x30xf32> to vector<256x1xf32>
      %squeeze3A_333 = vector.shape_cast %slice3A_332 : vector<256x1xf32> to vector<256xf32>
      %sub3A_334 = arith.subf %squeeze3A_331, %squeeze3A_333 : vector<256xf32>
      %slice3A_335 = vector.extract_strided_slice %get3A_253 {offsets = [0, 17], sizes = [256, 1], strides = [1, 1]} : vector<256x30xf32> to vector<256x1xf32>
      %squeeze3A_336 = vector.shape_cast %slice3A_335 : vector<256x1xf32> to vector<256xf32>
      %slice3A_337 = vector.extract_strided_slice %get3A_253 {offsets = [0, 18], sizes = [256, 1], strides = [1, 1]} : vector<256x30xf32> to vector<256x1xf32>
      %squeeze3A_338 = vector.shape_cast %slice3A_337 : vector<256x1xf32> to vector<256xf32>
      %sub3A_339 = arith.subf %squeeze3A_336, %squeeze3A_338 : vector<256xf32>
      %slice3A_340 = vector.extract_strided_slice %get3A_253 {offsets = [0, 18], sizes = [256, 1], strides = [1, 1]} : vector<256x30xf32> to vector<256x1xf32>
      %squeeze3A_341 = vector.shape_cast %slice3A_340 : vector<256x1xf32> to vector<256xf32>
      %slice3A_342 = vector.extract_strided_slice %get3A_253 {offsets = [0, 19], sizes = [256, 1], strides = [1, 1]} : vector<256x30xf32> to vector<256x1xf32>
      %squeeze3A_343 = vector.shape_cast %slice3A_342 : vector<256x1xf32> to vector<256xf32>
      %sub3A_344 = arith.subf %squeeze3A_341, %squeeze3A_343 : vector<256xf32>
      %slice3A_345 = vector.extract_strided_slice %get3A_253 {offsets = [0, 19], sizes = [256, 1], strides = [1, 1]} : vector<256x30xf32> to vector<256x1xf32>
      %squeeze3A_346 = vector.shape_cast %slice3A_345 : vector<256x1xf32> to vector<256xf32>
      %slice3A_347 = vector.extract_strided_slice %get3A_253 {offsets = [0, 20], sizes = [256, 1], strides = [1, 1]} : vector<256x30xf32> to vector<256x1xf32>
      %squeeze3A_348 = vector.shape_cast %slice3A_347 : vector<256x1xf32> to vector<256xf32>
      %sub3A_349 = arith.subf %squeeze3A_346, %squeeze3A_348 : vector<256xf32>
      %slice3A_350 = vector.extract_strided_slice %get3A_253 {offsets = [0, 20], sizes = [256, 1], strides = [1, 1]} : vector<256x30xf32> to vector<256x1xf32>
      %squeeze3A_351 = vector.shape_cast %slice3A_350 : vector<256x1xf32> to vector<256xf32>
      %slice3A_352 = vector.extract_strided_slice %get3A_253 {offsets = [0, 21], sizes = [256, 1], strides = [1, 1]} : vector<256x30xf32> to vector<256x1xf32>
      %squeeze3A_353 = vector.shape_cast %slice3A_352 : vector<256x1xf32> to vector<256xf32>
      %sub3A_354 = arith.subf %squeeze3A_351, %squeeze3A_353 : vector<256xf32>
      %slice3A_355 = vector.extract_strided_slice %get3A_253 {offsets = [0, 21], sizes = [256, 1], strides = [1, 1]} : vector<256x30xf32> to vector<256x1xf32>
      %squeeze3A_356 = vector.shape_cast %slice3A_355 : vector<256x1xf32> to vector<256xf32>
      %slice3A_357 = vector.extract_strided_slice %get3A_253 {offsets = [0, 22], sizes = [256, 1], strides = [1, 1]} : vector<256x30xf32> to vector<256x1xf32>
      %squeeze3A_358 = vector.shape_cast %slice3A_357 : vector<256x1xf32> to vector<256xf32>
      %sub3A_359 = arith.subf %squeeze3A_356, %squeeze3A_358 : vector<256xf32>
      %slice3A_360 = vector.extract_strided_slice %get3A_253 {offsets = [0, 22], sizes = [256, 1], strides = [1, 1]} : vector<256x30xf32> to vector<256x1xf32>
      %squeeze3A_361 = vector.shape_cast %slice3A_360 : vector<256x1xf32> to vector<256xf32>
      %slice3A_362 = vector.extract_strided_slice %get3A_253 {offsets = [0, 23], sizes = [256, 1], strides = [1, 1]} : vector<256x30xf32> to vector<256x1xf32>
      %squeeze3A_363 = vector.shape_cast %slice3A_362 : vector<256x1xf32> to vector<256xf32>
      %sub3A_364 = arith.subf %squeeze3A_361, %squeeze3A_363 : vector<256xf32>
      %slice3A_365 = vector.extract_strided_slice %get3A_253 {offsets = [0, 23], sizes = [256, 1], strides = [1, 1]} : vector<256x30xf32> to vector<256x1xf32>
      %squeeze3A_366 = vector.shape_cast %slice3A_365 : vector<256x1xf32> to vector<256xf32>
      %slice3A_367 = vector.extract_strided_slice %get3A_253 {offsets = [0, 24], sizes = [256, 1], strides = [1, 1]} : vector<256x30xf32> to vector<256x1xf32>
      %squeeze3A_368 = vector.shape_cast %slice3A_367 : vector<256x1xf32> to vector<256xf32>
      %sub3A_369 = arith.subf %squeeze3A_366, %squeeze3A_368 : vector<256xf32>
      %slice3A_370 = vector.extract_strided_slice %get3A_253 {offsets = [0, 24], sizes = [256, 1], strides = [1, 1]} : vector<256x30xf32> to vector<256x1xf32>
      %squeeze3A_371 = vector.shape_cast %slice3A_370 : vector<256x1xf32> to vector<256xf32>
      %slice3A_372 = vector.extract_strided_slice %get3A_253 {offsets = [0, 25], sizes = [256, 1], strides = [1, 1]} : vector<256x30xf32> to vector<256x1xf32>
      %squeeze3A_373 = vector.shape_cast %slice3A_372 : vector<256x1xf32> to vector<256xf32>
      %sub3A_374 = arith.subf %squeeze3A_371, %squeeze3A_373 : vector<256xf32>
      %slice3A_375 = vector.extract_strided_slice %get3A_253 {offsets = [0, 25], sizes = [256, 1], strides = [1, 1]} : vector<256x30xf32> to vector<256x1xf32>
      %squeeze3A_376 = vector.shape_cast %slice3A_375 : vector<256x1xf32> to vector<256xf32>
      %slice3A_377 = vector.extract_strided_slice %get3A_253 {offsets = [0, 26], sizes = [256, 1], strides = [1, 1]} : vector<256x30xf32> to vector<256x1xf32>
      %squeeze3A_378 = vector.shape_cast %slice3A_377 : vector<256x1xf32> to vector<256xf32>
      %sub3A_379 = arith.subf %squeeze3A_376, %squeeze3A_378 : vector<256xf32>
      %slice3A_380 = vector.extract_strided_slice %get3A_253 {offsets = [0, 26], sizes = [256, 1], strides = [1, 1]} : vector<256x30xf32> to vector<256x1xf32>
      %squeeze3A_381 = vector.shape_cast %slice3A_380 : vector<256x1xf32> to vector<256xf32>
      %slice3A_382 = vector.extract_strided_slice %get3A_253 {offsets = [0, 27], sizes = [256, 1], strides = [1, 1]} : vector<256x30xf32> to vector<256x1xf32>
      %squeeze3A_383 = vector.shape_cast %slice3A_382 : vector<256x1xf32> to vector<256xf32>
      %sub3A_384 = arith.subf %squeeze3A_381, %squeeze3A_383 : vector<256xf32>
      %slice3A_385 = vector.extract_strided_slice %get3A_253 {offsets = [0, 27], sizes = [256, 1], strides = [1, 1]} : vector<256x30xf32> to vector<256x1xf32>
      %squeeze3A_386 = vector.shape_cast %slice3A_385 : vector<256x1xf32> to vector<256xf32>
      %slice3A_387 = vector.extract_strided_slice %get3A_253 {offsets = [0, 28], sizes = [256, 1], strides = [1, 1]} : vector<256x30xf32> to vector<256x1xf32>
      %squeeze3A_388 = vector.shape_cast %slice3A_387 : vector<256x1xf32> to vector<256xf32>
      %sub3A_389 = arith.subf %squeeze3A_386, %squeeze3A_388 : vector<256xf32>
      %slice3A_390 = vector.extract_strided_slice %get3A_253 {offsets = [0, 28], sizes = [256, 1], strides = [1, 1]} : vector<256x30xf32> to vector<256x1xf32>
      %squeeze3A_391 = vector.shape_cast %slice3A_390 : vector<256x1xf32> to vector<256xf32>
      %slice3A_392 = vector.extract_strided_slice %get3A_253 {offsets = [0, 29], sizes = [256, 1], strides = [1, 1]} : vector<256x30xf32> to vector<256x1xf32>
      %squeeze3A_393 = vector.shape_cast %slice3A_392 : vector<256x1xf32> to vector<256xf32>
      %sub3A_394 = arith.subf %squeeze3A_391, %squeeze3A_393 : vector<256xf32>
      %stack3A_395 = vector.shape_cast %squeeze3A : vector<256xf32> to vector<256x1xf32>
      %stack3A_396 = vector.shape_cast %squeeze3A_255 : vector<256xf32> to vector<256x1xf32>
      %stack3A_397 = vector.shape_cast %sub3A : vector<256xf32> to vector<256x1xf32>
      %stack3A_398 = vector.shape_cast %sub3A_264 : vector<256xf32> to vector<256x1xf32>
      %stack3A_399 = vector.shape_cast %sub3A_269 : vector<256xf32> to vector<256x1xf32>
      %stack3A_400 = vector.shape_cast %sub3A_274 : vector<256xf32> to vector<256x1xf32>
      %stack3A_401 = vector.shape_cast %sub3A_279 : vector<256xf32> to vector<256x1xf32>
      %stack3A_402 = vector.shape_cast %sub3A_284 : vector<256xf32> to vector<256x1xf32>
      %stack3A_403 = vector.shape_cast %sub3A_289 : vector<256xf32> to vector<256x1xf32>
      %stack3A_404 = vector.shape_cast %sub3A_294 : vector<256xf32> to vector<256x1xf32>
      %stack3A_405 = vector.shape_cast %sub3A_299 : vector<256xf32> to vector<256x1xf32>
      %stack3A_406 = vector.shape_cast %sub3A_304 : vector<256xf32> to vector<256x1xf32>
      %stack3A_407 = vector.shape_cast %sub3A_309 : vector<256xf32> to vector<256x1xf32>
      %stack3A_408 = vector.shape_cast %sub3A_314 : vector<256xf32> to vector<256x1xf32>
      %stack3A_409 = vector.shape_cast %sub3A_319 : vector<256xf32> to vector<256x1xf32>
      %stack3A_410 = vector.shape_cast %sub3A_324 : vector<256xf32> to vector<256x1xf32>
      %stack3A_411 = vector.shape_cast %sub3A_329 : vector<256xf32> to vector<256x1xf32>
      %stack3A_412 = vector.shape_cast %sub3A_334 : vector<256xf32> to vector<256x1xf32>
      %stack3A_413 = vector.shape_cast %sub3A_339 : vector<256xf32> to vector<256x1xf32>
      %stack3A_414 = vector.shape_cast %sub3A_344 : vector<256xf32> to vector<256x1xf32>
      %stack3A_415 = vector.shape_cast %sub3A_349 : vector<256xf32> to vector<256x1xf32>
      %stack3A_416 = vector.shape_cast %sub3A_354 : vector<256xf32> to vector<256x1xf32>
      %stack3A_417 = vector.shape_cast %sub3A_359 : vector<256xf32> to vector<256x1xf32>
      %stack3A_418 = vector.shape_cast %sub3A_364 : vector<256xf32> to vector<256x1xf32>
      %stack3A_419 = vector.shape_cast %sub3A_369 : vector<256xf32> to vector<256x1xf32>
      %stack3A_420 = vector.shape_cast %sub3A_374 : vector<256xf32> to vector<256x1xf32>
      %stack3A_421 = vector.shape_cast %sub3A_379 : vector<256xf32> to vector<256x1xf32>
      %stack3A_422 = vector.shape_cast %sub3A_384 : vector<256xf32> to vector<256x1xf32>
      %stack3A_423 = vector.shape_cast %sub3A_389 : vector<256xf32> to vector<256x1xf32>
      %stack3A_424 = vector.shape_cast %sub3A_394 : vector<256xf32> to vector<256x1xf32>
      %stack3A_425 = tpu.concatenate %stack3A_395, %stack3A_396, %stack3A_397, %stack3A_398, %stack3A_399, %stack3A_400, %stack3A_401, %stack3A_402, %stack3A_403, %stack3A_404, %stack3A_405, %stack3A_406, %stack3A_407, %stack3A_408, %stack3A_409, %stack3A_410, %stack3A_411, %stack3A_412, %stack3A_413, %stack3A_414, %stack3A_415, %stack3A_416, %stack3A_417, %stack3A_418, %stack3A_419, %stack3A_420, %stack3A_421, %stack3A_422, %stack3A_423, %stack3A_424 in 1 : vector<256x1xf32>, vector<256x1xf32>, vector<256x1xf32>, vector<256x1xf32>, vector<256x1xf32>, vector<256x1xf32>, vector<256x1xf32>, vector<256x1xf32>, vector<256x1xf32>, vector<256x1xf32>, vector<256x1xf32>, vector<256x1xf32>, vector<256x1xf32>, vector<256x1xf32>, vector<256x1xf32>, vector<256x1xf32>, vector<256x1xf32>, vector<256x1xf32>, vector<256x1xf32>, vector<256x1xf32>, vector<256x1xf32>, vector<256x1xf32>, vector<256x1xf32>, vector<256x1xf32>, vector<256x1xf32>, vector<256x1xf32>, vector<256x1xf32>, vector<256x1xf32>, vector<256x1xf32>, vector<256x1xf32> -> vector<256x30xf32>
      %swap3A_426 = arith.constant 0 : index
      %swap3A_427 = arith.constant 0 : index
      %swap3A_428 = vector.load %arg3[%swap3A_426, %swap3A_427] : memref<256x30xf32, #tpu.memory_space<vmem>>, vector<256x30xf32>
      tpu.vector_store %arg3[%swap3A_426, %swap3A_427], %stack3A_425 {strides = array<i32>} : memref<256x30xf32, #tpu.memory_space<vmem>>, vector<256x30xf32>,
    } else {
    }
    return
  }
  func.func @transform_0(%arg0: i32, %arg1: i32) -> (i32, i32) {
    %c0_i32 = arith.constant 0 : i32
    return %arg0, %arg1 : i32, i32
  }
  func.func @transform_1(%arg0: i32, %arg1: i32) -> (i32, i32) {
    %c0_i32 = arith.constant 0 : i32
    %c0_i32_0 = arith.constant 0 : i32
    return %arg0, %c0_i32 : i32, i32
  }
}

</mosaic_0001>

<sc_bundles>
// kernel: kernel.4.cloned.1.call-start
scs
__scs_entry_jumppad:
0x0: {  	(pc) =	sbr.rel $0x88, $3  }
0x1: {  	(tag) =	ssettag $0x0;
	lr =	simm.s32 $0x1  }
0x2: {  	[smem:$0x3FA0] =	sst lr;
	_ =	strace $0xD0000000  }
0x3: {  	_ = 	snop  }
0x4: {  	_ = 	snop  }
0x5: {  	_ = 	snop  }
0x6: {  	_ = 	snop  }
0x7: {  	_ = 	snop  }
__scs_overlays_trampoline_lowered:
0x8: {  	[smem:$0x3FAF] =	sst s0  }
0x9: {  	[smem:$0x3FB0] =	sst s1  }
0xa: {  	[smem:$0x3FB1] =	sst s2  }
0xb: {  	[smem:$0x3FB2] =	sst s3  }
0xc: {  	[smem:$0x3FB3] =	sst s4  }
0xd: {  	[smem:$0x3FB4] =	sst s5  }
0xe: {  	[smem:$0x3FB5] =	sst s6  }
0xf: {  	[smem:$0x3FB6] =	sst s7  }
0x10: {  	[smem:$0x3FB7] =	sst s8  }
0x11: {  	[smem:$0x3FB8] =	sst s9;
	s0 =	simm.s32 @!p0 $0x0  }
0x12: {  	s1 =	sld [smem:$0x3F9E];
	s0 =	simm.s32 @p0 $0x1  }
0x13: {  	[smem:$0x3FB9] =	sst s0;
	s0 =	simm.s32 @!p1 $0x0  }
0x14: {  	s2 =	sld [smem:$0x3F9D];
	s0 =	simm.s32 @p1 $0x1  }
0x15: {  	[smem:$0x3FBA] =	sst s0;
	s0 =	simm.s32 @!p2 $0x0  }
0x16: {  	s3 =	sld [smem:$0x3FDB];
	s0 =	simm.s32 @p2 $0x1  }
0x17: {  	s4 =	simm.s32 $0x1BF5;
	[smem:$0x3FBC] =	sst s0  }
0x18: {  	s0 =	sld [smem:$0x3F9F];
	_ =	swait.ge [sflag:s4], $0x0  }
0x19: {  	s7 =	sld [smem:$0x3FA0]  }
0x1a: {  	s8 =	sadd.s32 $0xFFFFE003, lr  }
0x1b: {  	s9 =	sadd.s32 $0xFFFFFEF7, lr;
	s5 =	simm.s32 $0xFFFFFFFF;
	p2 =	slt.u32 s8, $0xFFFFF086  }
0x1c: {  	p1 =	slt.u32 s9, $0xF7A;
	s5 =	simm.s32 @!p2 $0x0  }
0x1d: {  	s5 =	simm.s32 @p1 $0x1;
	p0 =	seq.s32 s7, s2  }
0x1e: {  	s7 =	smul.u32 @!p0 $0xF7A, s2;
	p2 =	seq.s32 @!p0 s5, $0x0  }
0x1f: {  	s9 =	smul.u32 $0xF7A, s1;
	s8 =	simm.s32 @!p0 $0x1BF5;
	p2 =	por !p2, p0  }
0x20: {  	[sflag:s8] =	ssyncset.s32 @!p0 $0xFFFFF086;
	s6 =	sadd.s32 @!p0 s3, s7;
	s7 =	simm.s32 @!p0 $0x108  }
0x21: {  	s3 =	sadd.s32 s3, s9;
	s6 =	sadd.s32 @!p0 $0x88, s6;
	s7 =	simm.s32 @p2 $0x1082  }
0x22: {  	[simem:s7], [sflag:s8] =	dma.local @!p0 [hbm:s6], $0xF7A  }
0x23: {  	s9 =	sor.u32 $0xD0000000, s2;
	s6 =	simm.s32 $0x108;
	_ =	swait.ge @!p0 [sflag:s8], $0x0  }
0x24: {  	s3 =	sadd.s32 $0x88, s3;
	s6 =	simm.s32 @!p1 $0x1082;
	[sflag:s4] =	ssyncset.s32 $0xFFFFF086  }
0x25: {  	[simem:s6], [sflag:s4] =	dma.local [hbm:s3], $0xF7A  }
0x26: {  	[smem:$0x3FA0] =	sst s1;
	(tag) =	ssettag s2;
	_ =	strace s9  }
0x27: {  	s1 =	sld [smem:$0x3FB0]  }
0x28: {  	s2 =	sld [smem:$0x3FB1]  }
0x29: {  	s4 =	sld [smem:$0x3FB3]  }
0x2a: {  	p0 =	seq.s32 s5, $0x0;
	s5 =	sld [smem:$0x3FB4]  }
0x2b: {  	s6 =	sld [smem:$0x3FB5]  }
0x2c: {  	s7 =	sld [smem:$0x3FB6]  }
0x2d: {  	s3 =	simm.s32 $0x108;
	s8 =	sld [smem:$0x3FB7]  }
0x2e: {  	s3 =	simm.s32 @!p0 $0x1082;
	s9 =	sld [smem:$0x3FB8]  }
0x2f: {  	lr =	sadd.s32 s0, s3;
	s0 =	sld [smem:$0x3FAF]  }
0x30: {  	s3 =	sld [smem:$0x3FB2]  }
0x31: {  	[smem:$0x3FBB] =	sst s10  }
0x32: {  	s10 =	sld [smem:$0x3FB9];
	_ =	sdelay $0x3  }
0x33: {  	p0 =	seq.s32 s10, $0x1;
	s10 =	sld [smem:$0x3FBB];
	_ =	sdelay $0x3  }
0x34: {  	[smem:$0x3FBB] =	sst s10  }
0x35: {  	s10 =	sld [smem:$0x3FBA];
	_ =	sdelay $0x3  }
0x36: {  	p1 =	seq.s32 s10, $0x1;
	s10 =	sld [smem:$0x3FBB];
	_ =	sdelay $0x3  }
0x37: {  	[smem:$0x3FBB] =	sst s10  }
0x38: {  	s10 =	sld [smem:$0x3FBC]  }
0x39: {  	_ = 	snop;
	(pc) =	sbr.ind lr, $3  }
0x3a: {  	_ = 	snop  }
0x3b: {  	_ = 	snop  }
0x3c: {  	p2 =	seq.s32 s10, $0x1;
	s10 =	sld [smem:$0x3FBB]  }
0x3d: {  	_ =	shalt  }
0x3e: {  	_ =	shalt  }
0x3f: {  	_ =	shalt  }
0x40: {  	_ =	shalt  }
0x41: {  	_ =	shalt  }
0x42: {  	_ =	shalt  }
0x43: {  	_ =	shalt  }
0x44: {  	_ =	shalt  }
0x45: {  	_ =	shalt  }
0x46: {  	_ =	shalt  }
0x47: {  	_ =	shalt  }
0x48: {  	_ =	shalt  }
0x49: {  	_ =	shalt  }
0x4a: {  	_ =	shalt  }
0x4b: {  	_ =	shalt  }
0x4c: {  	_ =	shalt  }
0x4d: {  	_ =	shalt  }
0x4e: {  	_ =	shalt  }
0x4f: {  	_ =	shalt  }
0x50: {  	_ =	shalt  }
0x51: {  	_ =	shalt  }
0x52: {  	_ =	shalt  }
0x53: {  	_ =	shalt  }
0x54: {  	_ =	shalt  }
0x55: {  	_ =	shalt  }
0x56: {  	_ =	shalt  }
0x57: {  	_ =	shalt  }
0x58: {  	_ =	shalt  }
0x59: {  	_ =	shalt  }
0x5a: {  	_ =	shalt  }
0x5b: {  	_ =	shalt  }
0x5c: {  	_ =	shalt  }
0x5d: {  	_ =	shalt  }
0x5e: {  	_ =	shalt  }
0x5f: {  	_ =	shalt  }
0x60: {  	_ =	shalt  }
0x61: {  	_ =	shalt  }
0x62: {  	_ =	shalt  }
0x63: {  	_ =	shalt  }
0x64: {  	_ =	shalt  }
0x65: {  	_ =	shalt  }
0x66: {  	_ =	shalt  }
0x67: {  	_ =	shalt  }
0x68: {  	_ =	shalt  }
0x69: {  	_ =	shalt  }
0x6a: {  	_ =	shalt  }
0x6b: {  	_ =	shalt  }
0x6c: {  	_ =	shalt  }
0x6d: {  	_ =	shalt  }
0x6e: {  	_ =	shalt  }
0x6f: {  	_ =	shalt  }
0x70: {  	_ =	shalt  }
0x71: {  	_ =	shalt  }
0x72: {  	_ =	shalt  }
0x73: {  	_ =	shalt  }
0x74: {  	_ =	shalt  }
0x75: {  	_ =	shalt  }
0x76: {  	_ =	shalt  }
0x77: {  	_ =	shalt  }
0x78: {  	_ =	shalt  }
0x79: {  	_ =	shalt  }
0x7a: {  	_ =	shalt  }
0x7b: {  	_ =	shalt  }
0x7c: {  	_ =	shalt  }
0x7d: {  	_ =	shalt  }
0x7e: {  	_ =	shalt  }
0x7f: {  	_ =	shalt  }
0x80: {  	_ =	shalt  }
0x81: {  	_ =	shalt  }
0x82: {  	_ =	shalt  }
0x83: {  	_ =	shalt  }
0x84: {  	_ =	shalt  }
0x85: {  	_ =	shalt  }
0x86: {  	_ =	shalt  }
0x87: {  	_ =	shalt  }
.Lfunc_end0:
.L_simem_size_0:
called_computation_lowered:
.L_overlay_start_0:
0x88: {  	s2 =	sld [smem:$0x3FD9]  }
0x89: {  	s3 =	sld [smem:$0x3FFE];
	_ =	sdelay $0x1  }
0x8a: {  	s1 =	srdreg.scid  }
0x8b: {  	s0 =	sand.u32 $0x1, s1  }
0x8c: {  	s18 =	sshll.u32 s0, $0xA;
	s2 =	sadd.s32 s3, s2  }
0x8d: {  	s2 =	sadd.s32 s2, s18  }
0x8e: {  	[smem:$0x3FC7] =	sst s2  }
0x8f: {  	_ = 	snop  }
0x90: {  	s2 =	sld [smem:$0x3FC9]  }
0x91: {  	s19 =	sld [smem:$0x3FD0];
	(tm) =	ssettm $0x1  }
0x92: {  	s4 =	sld [smem:$0x3FFB];
	_ =	sdelay $0x3  }
0x93: {  	_ =	strace s4  }
0x94: {  	s4 =	sld [smem:$0x3FFC];
	_ =	sdelay $0x3  }
0x95: {  	_ =	strace s4  }
0x96: {  	s4 =	sld [smem:$0x3FFD];
	_ =	sdelay $0x3  }
0x97: {  	_ =	strace s4  }
0x98: {  	_ =	strace $0x8FFFFFFF  }
0x99: {  	s20 =	sld [smem:$0x3FDB];
	_ =	sdelay $0x1  }
0x9a: {  	s5 =	simm.s32 $_scs_section_size  }
0x9b: {  	s6 =	simm.s32 $_size__tile_overlayer_lowered;
	s7 =	simm.s32 $_tile_overlayer_lowered  }
0x9c: {  	s23 =	simm.s32 $0x1BFF;
	s22 =	sshll.u32 s7, $0x1;
	s4 =	sadd.s32 s5, s20  }
0x9d: {  	s8 =	simm.s32 $0x0;
	s21 =	sshll.u32 s6, $0x1;
	s6 =	sadd.s32 s22, s4  }
0x9e: {  	[timem:s8], [sflag:s23] =	dma.local [hbm:s6], s21  }
0x9f: {  	_ =	swait.ge [sflag:s23], s21  }
0xa0: {  	s5 =	ssub.s32 $0x0, s21;
	[sflag:s23] =	ssyncset.done $0x0  }
0xa1: {  	[sflag:s23] =	ssyncadd.s32 s5;
	_ =	sdelay $0x1  }
0xa2: {  	s24 =	simm.s32 $0x1B8B  }
0xa3: {  	_ =	swait.ge [sflag:s24], $0x1  }
0xa4: {  	[sflag:s24] =	ssyncset.done $0x0  }
0xa5: {  	s25 =	simm.s32 $0x1B8E;
	[sflag:s24] =	ssyncadd.s32 $0xFFFFFFFF  }
0xa6: {  	s26 =	simm.s32 $execute0_lowered;
	[smem:$0x3FD2] =	sst s25  }
0xa7: {  	s5 =	sshll.u32 s26, $0x1;
	_ =	strace $0x80000046;
	[dreg:$0x1] =	wrdreg $0xFFFFFFFF  }
0xa8: {  	s28 =	simm.s32 $_size_execute0_lowered;
	s4 =	sadd.s32 s4, s5;
	[dreg:$0x0] =	wrdreg $0x0  }
0xa9: {  	s5 =	sshll.u32 s28, $0x1;
	[dreg:$0x2] =	wrdreg s4  }
0xaa: {  	[dreg:$0x3] =	wrdreg s5  }
0xab: {  	[dreg:$0x4] =	wrdreg $0xC0  }
0xac: {  	_ =	task [dreg:s8], $0x5FFFF  }
0xad: {  	[dreg:$0x1] =	wrdreg $0xFFFFFFFF  }
0xae: {  	[dreg:$0x0] =	wrdreg $0x60  }
0xaf: {  	[dreg:$0x2] =	wrdreg s2  }
0xb0: {  	[dreg:$0x3] =	wrdreg s19  }
0xb1: {  	[dreg:$0x4] =	wrdreg $0x9  }
0xb2: {  	_ =	task.clear_ibuf [dreg:s8], $0x5FFFF;
	_ =	strace $0x90000046  }
0xb3: {  	s29 =	simm.s32 $0x9;
	_ =	strace $0x80000048  }
0xb4: {  	_ =	swait.ge [sflag:s29], $0x1  }
0xb5: {  	[sflag:s29] =	ssyncadd.s32 $0xFFFFFFFF  }
0xb6: {  	_ =	strace $0x90000048  }
0xb7: {  	_ =	sfence  }
0xb8: {  	s30 =	sld [smem:$0x0];
	_ =	sdelay $0x2  }
0xb9: {  	s31 =	sshll.u32 s1, $0xD;
	s1 =	sshrl.u32 s1, $0x2  }
0xba: {  	s3 =	sand.u32 $0x4000, s31;
	s1 =	sadd.s32 s1, s30  }
0xbb: {  	s0 =	sor.u32 s3, s0;
	s1 =	sshll.u32 s1, $0x11  }
0xbc: {  	s0 =	sor.u32 s1, s0  }
0xbd: {  	s0 =	sadd.s32 $0x8F2B, s0  }
0xbe: {  	[sflag:s0] =	ssyncadd.remote.s32 $0x1  }
0xbf: {  	_ =	sfence.sel $0xFFFF  }
0xc0: {  	[dreg:$0x0] =	wrdreg $0xFFFFFFFF;
	(pc) =	sbr.abs _section_cstart, $3  }
0xc1: {  	[dreg:$0x1] =	wrdreg $0xFFFFFFFF  }
0xc2: {  	_ =	task.clear_ibuf [dreg:s8], $0x2FFFF;
	_ =	strace $0x9FFFFFFF  }
0xc3: {  	(tm) =	ssettm $0x7FFFFFFF  }
tec
execute0_lowered:
.L_overlay_start_1:
0x0: {  	(tag) =	ssettag $0x1  }
0x1: {  	v0 =	vimm.f32 $5.420000000e+02;
	vm0 =	vcmask $0x300  }
0x2: {  	vm13 =	vcmask $0x704;
	vm14 =	vcmask $0xB08;
	vm15 =	vcmask $0xF0C  }
0x3: {  	vm4 =	vcmask $0x1310;
	vm5 =	vcmask $0x1714;
	vm6 =	vcmask $0x1B18  }
0x4: {  	vm7 =	vcmask $0x1F1C;
	vm8 =	vcmask $0x2320;
	vm9 =	vcmask $0x2724  }
0x5: {  	vm10 =	vcmask $0x2B28;
	vm11 =	vcmask $0x2F2C;
	v0 =	vsel vm0, $0x423C0000, v0  }
0x6: {  	v1 =	vimm.s32 $0x87654320;
	vm12 =	vcmask $0x3330;
	v0 =	vsel vm13, $0x42A00000, v0  }
0x7: {  	v2 =	vimm.s32 $0xFEDCBA9;
	vm1 =	vcmask $0x1F00;
	v0 =	vsel vm14, $0x42E20000, v0  }
0x8: {  	v3 =	vimm.s32 $0x1C1B1A19;
	v4 =	vimm.s32 $0x1F1E011D;
	v0 =	vsel vm15, $0x43120000, v0  }
0x9: {  	s1 =	srdreg.scid;
	s0 =	stileid.u32;
	v5 =	vimm.s32 $0x14131211;
	v6 =	vimm.s32 $0x18171615;
	v0 =	vsel vm4, $0x43330000, v0  }
0xa: {  	s7 =	rddreg [dreg:$0x1];
	s3 =	simm.s32 $0x0;
	vm2 =	vcmask $0x1F10;
	s11 =	simm.s32 $0x4000;
	v1 =	vunpack.c.l.s4.s8 v1;
	v0 =	vsel vm5, $0x43540000, v0  }
0xb: {  	s12 =	simm.s32 $0x1;
	s13 =	simm.s32 $0x8000;
	s14 =	simm.s32 $0x2;
	v2 =	vunpack.c.l.s4.s8 v2;
	v3 =	vunpack.c.0.s8.s32 v3;
	v0 =	vsel vm6, $0x43750000, v0  }
0xc: {  	s15 =	simm.s32 $0x8300;
	s4 =	sand.u32 $0x1, s1;
	s2 =	sshll.u32 s0, $0x1;
	v4 =	vunpack.c.0.s8.s32 v4;
	v5 =	vunpack.c.0.s8.s32 v5;
	v0 =	vsel vm7, $0x438B0000, v0  }
0xd: {  	s16 =	simm.s32 $0x3;
	s1 =	rddreg [dreg:$0x0];
	v6 =	vunpack.c.0.s8.s32 v6;
	s5 =	sor.u32 s4, s2;
	vm13 =	vcmask $0x3734;
	v0 =	vsel vm8, $0x439B8000, v0  }
0xe: {  	s17 =	simm.s32 $0x0;
	[smem:$0x7FF] =	sst s3;
	s6 =	smul.u32 $0x18, s5;
	v1 =	vunpack.c.0.s8.s32 v1;
	vm14 =	vcmask $0x3B38;
	v0 =	vsel vm9, $0x43AC0000, v0  }
.Ltmp0:
0xf: {  	s2 =	rddreg [dreg:$0x2];
	s8 =	ssub.s32 $0x2, s4;
	v2 =	vunpack.c.0.s8.s32 v2;
	v3 =	vsel vm2, v4, v3;
	v0 =	vsel vm10, $0x43BC8000, v0;
	(pc) =	sbr.rel .LBB2_1-.Ltmp0, $4  }
0x10: {  	_ =	strace $0x80000047;
	s31 =	sshrl.u32 s8, $0x1;
	s10 =	smul.u32 $0x60, s5;
	v4 =	vsel vm2, v6, v5;
	vm15 =	vcmask $0x3B20;
	v0 =	vsel vm11, $0x43CD0000, v0  }
0x11: {  	s8 =	ssub.s32 s8, s31;
	v3 =	vcombine.low v4, v3;
	s4 =	sadd.s32 $0x100, s6;
	v1 =	vand.u32 $0xF, v1;
	s6 =	sadd.s32 $0x4000, s1;
	v0 =	vsel vm12, $0x43DD8000, v0  }
0x12: {  	s7 =	sadd.s32 s7, s10;
	s8 =	smax.u32 s8, $0x1;
	v2 =	vand.u32 $0xF, v2;
	s9 =	sshll.u32 s4, $0xD;
	v7 =	vnsel vm1, $0x10, v1;
	v0 =	vsel vm13, $0x43EE0000, v0  }
0x13: {  	s10 =	simm.s32 $0x400;
	v1 =	vimm.f32 $1.000000000e+00;
	s5 =	sadd.s32 s1, s9;
	s9 =	simm.s32 $0x80;
	v2 =	vsel vm15, v2, v7;
	v0 =	vsel vm14, $0x43FE8000, v0  }
.LBB2_9:
0x14: {  	s17 =	sadd.s32 $0x1, s17  }
0x15: {  	p0 =	sne.s32 s17, s8  }
.Ltmp1:
0x16: {  	_ = 	snop;
	(pc) =	sbr.rel @!p0 .LBB2_10-.Ltmp1, $4  }
0x17: {  	[hbm4b:s7+s3] =	stream.linear.scatter [tilespmem:s15], [sflag:$0x3], $0x300, $0x38;
	[tilespmem:$0x8600] =	vst v63  }
0x18: {  	_ =	swait.ge [sflag:s16], $0x300  }
0x19: {  	[sflag:s16] =	ssyncset.done $0x0  }
0x1a: {  	[sflag:s16] =	ssyncadd.s32 $0xFFFFFD00  }
.LBB2_1:
.Ltmp2:
0x1b: {  	(pc) =	sbr.rel .LBB2_2-.Ltmp2, $3  }
0x1c: {  	_ =	sdelay $0x1  }
0x1d: {  	[tilespmem:s3], [sflag:$0x1] =	stream.strided.gather [hbm4b:s5+s9], $0x4000, s10, s9, $0x38;
	[tilespmem:$0x8600] =	vst v63  }
0x1e: {  	s20 =	simm.s32 $0x0  }
.LBB2_8:
0x1f: {  	p0 =	sne.s32 s20, $0x30  }
.Ltmp3:
0x20: {  	_ = 	snop;
	(pc) =	sbr.rel @!p0 .LBB2_9-.Ltmp3, $1  }
0x21: {  	_ =	sdelay $0x3  }
.LBB2_2:
0x22: {  	s21 =	sshll.u32 s20, $0x1  }
0x23: {  	s18 =	sshrl.u32 s20, $0x1;
	s19 =	sand.u32 $0x2, s21  }
0x24: {  	s24 =	sshll.u32 s20, $0x3;
	s22 =	sadd.s32 s4, s18;
	s23 =	sshll.u32 s19, $0xE  }
0x25: {  	s24 =	sand.u32 $0x70, s24;
	s22 =	sshll.u32 s22, $0xD;
	s23 =	sadd.s32 s23, s6  }
0x26: {  	s30 =	sand.u32 $0x1, s20;
	s22 =	sand.u32 $0xFFF0000, s22;
	s23 =	sadd.s32 s24, s23  }
0x27: {  	p0 =	seq.s32 s30, $0x1;
	s22 =	sadd.s32 s22, s23  }
0x28: {  	v4 =	vimm.f32 @!p0 $0.0e+00;
	[tilespmem:s11], [sflag:$0x2] =	stream.strided.gather [hbm4b:s22+s9], $0x4000, s10, s9, $0x38;
	[tilespmem:$0x8600] =	vst v63  }
0x29: {  	[tilespmem:$0x8000] =	vst @!p0 v4  }
0x2a: {  	[tilespmem:$0x8010] =	vst @!p0 v4  }
0x2b: {  	[tilespmem:$0x8020] =	vst @!p0 v4  }
0x2c: {  	[tilespmem:$0x8030] =	vst @!p0 v4  }
0x2d: {  	[tilespmem:$0x8040] =	vst @!p0 v4  }
0x2e: {  	[tilespmem:$0x8050] =	vst @!p0 v4  }
0x2f: {  	[tilespmem:$0x8060] =	vst @!p0 v4  }
0x30: {  	[tilespmem:$0x8070] =	vst @!p0 v4  }
0x31: {  	[tilespmem:$0x8080] =	vst @!p0 v4  }
0x32: {  	[tilespmem:$0x8090] =	vst @!p0 v4  }
0x33: {  	[tilespmem:$0x80A0] =	vst @!p0 v4  }
0x34: {  	[tilespmem:$0x80B0] =	vst @!p0 v4  }
0x35: {  	[tilespmem:$0x80C0] =	vst @!p0 v4  }
0x36: {  	[tilespmem:$0x80D0] =	vst @!p0 v4  }
0x37: {  	[tilespmem:$0x80E0] =	vst @!p0 v4  }
0x38: {  	[tilespmem:$0x80F0] =	vst @!p0 v4  }
0x39: {  	[tilespmem:$0x8100] =	vst @!p0 v4  }
0x3a: {  	[tilespmem:$0x8110] =	vst @!p0 v4  }
0x3b: {  	[tilespmem:$0x8120] =	vst @!p0 v4  }
0x3c: {  	[tilespmem:$0x8130] =	vst @!p0 v4  }
0x3d: {  	[tilespmem:$0x8140] =	vst @!p0 v4  }
0x3e: {  	[tilespmem:$0x8150] =	vst @!p0 v4  }
0x3f: {  	[tilespmem:$0x8160] =	vst @!p0 v4  }
0x40: {  	[tilespmem:$0x8170] =	vst @!p0 v4  }
0x41: {  	[tilespmem:$0x8180] =	vst @!p0 v4  }
0x42: {  	[tilespmem:$0x8190] =	vst @!p0 v4  }
0x43: {  	[tilespmem:$0x81A0] =	vst @!p0 v4  }
0x44: {  	[tilespmem:$0x81B0] =	vst @!p0 v4  }
0x45: {  	[tilespmem:$0x81C0] =	vst @!p0 v4  }
0x46: {  	[tilespmem:$0x81D0] =	vst @!p0 v4  }
0x47: {  	[tilespmem:$0x81E0] =	vst @!p0 v4  }
0x48: {  	[tilespmem:$0x81F0] =	vst @!p0 v4  }
0x49: {  	[tilespmem:$0x8200] =	vst @!p0 v4  }
0x4a: {  	[tilespmem:$0x8210] =	vst @!p0 v4  }
0x4b: {  	[tilespmem:$0x8220] =	vst @!p0 v4  }
0x4c: {  	[tilespmem:$0x8230] =	vst @!p0 v4  }
0x4d: {  	[tilespmem:$0x8240] =	vst @!p0 v4  }
0x4e: {  	[tilespmem:$0x8250] =	vst @!p0 v4  }
0x4f: {  	[tilespmem:$0x8260] =	vst @!p0 v4  }
0x50: {  	[tilespmem:$0x8270] =	vst @!p0 v4  }
0x51: {  	[tilespmem:$0x8280] =	vst @!p0 v4  }
0x52: {  	[tilespmem:$0x8290] =	vst @!p0 v4  }
0x53: {  	[tilespmem:$0x82A0] =	vst @!p0 v4  }
0x54: {  	[tilespmem:$0x82B0] =	vst @!p0 v4  }
0x55: {  	_ =	swait.ge [sflag:s12], $0x4000  }
0x56: {  	[sflag:s12] =	ssyncset.done $0x0  }
0x57: {  	s31 =	simm.s32 $0x40;
	[sflag:s12] =	ssyncadd.s32 $0xFFFFC000  }
0x58: {  	v4 =	vld [tilespmem:s31+$0x30]  }
0x59: {  	v5 =	vld [tilespmem:s31+$0xFFFFFFD0]  }
0x5a: {  	v6 =	vld [tilespmem:s31+$0xFFFFFFE0]  }
0x5b: {  	v7 =	vld [tilespmem:s31+$0xFFFFFFF0]  }
0x5c: {  	v9 =	vld [tilespmem:s31+$0x10]  }
0x5d: {  	v8 =	vld [tilespmem:s31+$0x0]  }
0x5e: {  	v10 =	vld [tilespmem:s31+$0x20];
	v4 =	vmul.f32 $2.333333250e+00, v4  }
0x5f: {  	v11 =	vld [tilespmem:s31+$0xFFFFFFC0];
	v5 =	vmul.f32 $2.333333250e+00, v5  }
0x60: {  	v6 =	vmul.f32 $2.333333250e+00, v6;
	v4 =	vadd.f32 v0, v4  }
0x61: {  	v9 =	vmul.f32 $2.333333250e+00, v9;
	v12 =	vadd.f32 v0, v5;
	v5 =	vmul.f32 $2.333333250e+00, v7  }
0x62: {  	v7 =	vmul.f32 $2.333333250e+00, v8;
	v4 =	vtrunc.f32 v4  }
0x63: {  	v6 =	vadd.f32 v0, v6;
	v13 =	vadd.f32 v0, v5;
	v5 =	vcvt.f32.s32 v4  }
0x64: {  	v10 =	vmul.f32 $2.333333250e+00, v10;
	v11 =	vmul.f32 $2.333333250e+00, v11;
	v7 =	vadd.f32 v0, v7  }
0x65: {  	v63 =	vadd.f32 v0, v9;
	v8 =	vtrunc.f32 v6;
	v4 =	vtrunc.f32 v12  }
0x66: {  	v10 =	vadd.f32 v0, v10;
	v9 =	vtrunc.f32 v13;
	v6 =	vtrunc.f32 v7  }
0x67: {  	s23 =	simm.s32 $0xC0;
	s22 =	simm.s32 $0x0;
	v11 =	vadd.f32 v0, v11;
	v4 =	vcvt.f32.s32 v4;
	v7 =	vtrunc.f32 v63  }
.LBB2_3:
0x68: {  	v12 =	vld [tilespmem:s23+$0x30];
	v8 =	vcvt.f32.s32 v8;
	v10 =	vtrunc.f32 v10  }
0x69: {  	s22 =	sadd.s32 $0x8, s22;
	v9 =	vcvt.f32.s32 v9;
	v11 =	vtrunc.f32 v11;
	[tilespmem:v5+s13+$0x0] =	vst.idx.add.f32.msk $0xffff, v1  }
0x6a: {  	v6 =	vcvt.f32.s32 v6;
	p0 =	slt.u32 s22, $0x3F8;
	v5 =	vld [tilespmem:s23+$0xFFFFFFD0];
	v11 =	vcvt.f32.s32 v11  }
0x6b: {  	v7 =	vcvt.f32.s32 v7;
	v14 =	vcvt.f32.s32 v10;
	v13 =	vld [tilespmem:s23+$0xFFFFFFE0]  }
0x6c: {  	v10 =	vld [tilespmem:s23+$0xFFFFFFF0]  }
0x6d: {  	v15 =	vld [tilespmem:s23+$0x0]  }
0x6e: {  	v12 =	vmul.f32 $2.333333250e+00, v12;
	v16 =	vld [tilespmem:s23+$0x10]  }
0x6f: {  	v5 =	vmul.f32 $2.333333250e+00, v5;
	v17 =	vld [tilespmem:s23+$0x20]  }
0x70: {  	v12 =	vadd.f32 v0, v12;
	v18 =	vld [tilespmem:s23+$0xFFFFFFC0];
	v13 =	vmul.f32 $2.333333250e+00, v13  }
0x71: {  	v19 =	vadd.f32 v0, v5;
	v5 =	vmul.f32 $2.333333250e+00, v10;
	[tilespmem:v11+s13+$0x0] =	vst.idx.add.f32.msk $0xffff, v1  }
0x72: {  	v12 =	vtrunc.f32 v12;
	v10 =	vadd.f32 v0, v13;
	v11 =	vmul.f32 $2.333333250e+00, v15;
	[tilespmem:v4+s13+$0x0] =	vst.idx.add.f32.msk $0xffff, v1  }
.Ltmp4:
0x73: {  	v4 =	vadd.f32 v0, v5;
	v13 =	vmul.f32 $2.333333250e+00, v16;
	v5 =	vcvt.f32.s32 v12;
	[tilespmem:v8+s13+$0x0] =	vst.idx.add.f32.msk $0xffff, v1;
	(pc) =	sbr.rel @p0 .LBB2_3-.Ltmp4, $4  }
0x74: {  	v12 =	vtrunc.f32 v19;
	v11 =	vadd.f32 v0, v11;
	v15 =	vmul.f32 $2.333333250e+00, v17;
	[tilespmem:v9+s13+$0x0] =	vst.idx.add.f32.msk $0xffff, v1  }
0x75: {  	v8 =	vtrunc.f32 v10;
	v16 =	vmul.f32 $2.333333250e+00, v18;
	v13 =	vadd.f32 v0, v13;
	[tilespmem:v6+s13+$0x0] =	vst.idx.add.f32.msk $0xffff, v1  }
0x76: {  	v9 =	vtrunc.f32 v4;
	v6 =	vtrunc.f32 v11;
	v10 =	vadd.f32 v0, v15;
	[tilespmem:v7+s13+$0x0] =	vst.idx.add.f32.msk $0xffff, v1  }
0x77: {  	s23 =	sadd.s32 $0x80, s23;
	v4 =	vcvt.f32.s32 v12;
	v11 =	vadd.f32 v0, v16;
	v7 =	vtrunc.f32 v13;
	[tilespmem:v14+s13+$0x0] =	vst.idx.add.f32.msk $0xffff, v1  }
0x78: {  	_ = 	snop  }
0x79: {  	v8 =	vcvt.f32.s32 v8  }
0x7a: {  	v9 =	vcvt.f32.s32 v9  }
0x7b: {  	v6 =	vcvt.f32.s32 v6  }
0x7c: {  	v10 =	vtrunc.f32 v10;
	[tilespmem:v5+s13+$0x0] =	vst.idx.add.f32.msk $0xffff, v1;
	v5 =	vcvt.f32.s32 v7  }
0x7d: {  	p0 =	seq.s32 s20, $0x2F;
	v11 =	vtrunc.f32 v11;
	v7 =	vcvt.f32.s32 v10  }
0x7e: {  	s21 =	sadd.s32 @!p0 $0x2, s21;
	[tilespmem:v4+s13+$0x0] =	vst.idx.add.f32.msk $0xffff, v1;
	v11 =	vcvt.f32.s32 v11  }
0x7f: {  	s22 =	sshrl.u32 @!p0 s21, $0x2;
	[tilespmem:v8+s13+$0x0] =	vst.idx.add.f32.msk $0xffff, v1  }
0x80: {  	s22 =	sadd.s32 @!p0 s4, s22;
	[tilespmem:v9+s13+$0x0] =	vst.idx.add.f32.msk $0xffff, v1  }
0x81: {  	s23 =	sshll.u32 @!p0 s21, $0xE;
	s21 =	sshll.u32 @!p0 s21, $0x2;
	s22 =	sshll.u32 @!p0 s22, $0xD;
	[tilespmem:v6+s13+$0x0] =	vst.idx.add.f32.msk $0xffff, v1  }
0x82: {  	s23 =	sand.u32 @!p0 $0x8000, s23;
	s21 =	sand.u32 @!p0 $0x70, s21;
	s22 =	sand.u32 @!p0 $0xFFF0000, s22;
	[tilespmem:v5+s13+$0x0] =	vst.idx.add.f32.msk $0xffff, v1  }
0x83: {  	s24 =	simm.s32 @!p0 $0x0;
	s21 =	sadd.s32 @!p0 s1, s21;
	s22 =	sor.u32 @!p0 s22, s23;
	[tilespmem:v7+s13+$0x0] =	vst.idx.add.f32.msk $0xffff, v1  }
0x84: {  	s23 =	simm.s32 @!p0 $0x400;
	s21 =	sadd.s32 @!p0 s22, s21;
	s22 =	simm.s32 @!p0 $0x80;
	[tilespmem:v11+s13+$0x0] =	vst.idx.add.f32.msk $0xffff, v1  }
0x85: {  	[tilespmem:s24], [sflag:$0x1] =	stream.strided.gather @!p0 [hbm4b:s21+s22], $0x4000, s23, s22, $0x38;
	[tilespmem:$0x8600] =	vst v63  }
0x86: {  	_ =	swait.ge [sflag:s14], $0x4000  }
0x87: {  	[sflag:s14] =	ssyncset.done $0x0  }
0x88: {  	s31 =	simm.s32 $0x4040;
	[sflag:s14] =	ssyncadd.s32 $0xFFFFC000  }
0x89: {  	v4 =	vld [tilespmem:s31+$0x30]  }
0x8a: {  	v5 =	vld [tilespmem:s31+$0xFFFFFFD0]  }
0x8b: {  	v6 =	vld [tilespmem:s31+$0xFFFFFFE0]  }
0x8c: {  	v7 =	vld [tilespmem:s31+$0xFFFFFFF0]  }
0x8d: {  	v9 =	vld [tilespmem:s31+$0x10]  }
0x8e: {  	v8 =	vld [tilespmem:s31+$0x0]  }
0x8f: {  	v10 =	vld [tilespmem:s31+$0x20];
	v4 =	vmul.f32 $2.333333250e+00, v4  }
0x90: {  	v11 =	vld [tilespmem:s31+$0xFFFFFFC0];
	v5 =	vmul.f32 $2.333333250e+00, v5  }
0x91: {  	v6 =	vmul.f32 $2.333333250e+00, v6;
	v4 =	vadd.f32 v0, v4  }
0x92: {  	v9 =	vmul.f32 $2.333333250e+00, v9;
	v12 =	vadd.f32 v0, v5;
	v5 =	vmul.f32 $2.333333250e+00, v7  }
0x93: {  	v6 =	vadd.f32 v0, v6;
	v7 =	vmul.f32 $2.333333250e+00, v8;
	v4 =	vtrunc.f32 v4  }
0x94: {  	v9 =	vadd.f32 v0, v9;
	v8 =	vadd.f32 v0, v5;
	v5 =	vcvt.f32.s32 v4  }
0x95: {  	v10 =	vmul.f32 $2.333333250e+00, v10;
	v11 =	vmul.f32 $2.333333250e+00, v11  }
0x96: {  	v63 =	vadd.f32 v0, v7;
	v7 =	vtrunc.f32 v6;
	v9 =	vtrunc.f32 v9  }
0x97: {  	v10 =	vadd.f32 v0, v10;
	v4 =	vtrunc.f32 v12;
	v8 =	vtrunc.f32 v8  }
0x98: {  	s20 =	sadd.s32 $0x1, s20;
	s21 =	simm.s32 $0x0;
	s22 =	simm.s32 $0x40C0;
	v11 =	vadd.f32 v0, v11;
	v6 =	vtrunc.f32 v63;
	v4 =	vcvt.f32.s32 v4  }
.LBB2_5:
0x99: {  	v12 =	vld [tilespmem:s22+$0x30];
	v7 =	vcvt.f32.s32 v7;
	v10 =	vtrunc.f32 v10  }
0x9a: {  	s21 =	sadd.s32 $0x8, s21;
	v8 =	vcvt.f32.s32 v8;
	v11 =	vtrunc.f32 v11;
	[tilespmem:v5+s13+$0x0] =	vst.idx.add.f32.msk $0xffff, v1  }
0x9b: {  	v6 =	vcvt.f32.s32 v6;
	p0 =	slt.u32 s21, $0x3F8;
	v5 =	vld [tilespmem:s22+$0xFFFFFFD0];
	v11 =	vcvt.f32.s32 v11  }
0x9c: {  	v9 =	vcvt.f32.s32 v9;
	v14 =	vcvt.f32.s32 v10;
	v13 =	vld [tilespmem:s22+$0xFFFFFFE0]  }
0x9d: {  	v10 =	vld [tilespmem:s22+$0xFFFFFFF0]  }
0x9e: {  	v15 =	vld [tilespmem:s22+$0x0]  }
0x9f: {  	v12 =	vmul.f32 $2.333333250e+00, v12;
	v16 =	vld [tilespmem:s22+$0x10]  }
0xa0: {  	v5 =	vmul.f32 $2.333333250e+00, v5;
	v17 =	vld [tilespmem:s22+$0x20]  }
0xa1: {  	v12 =	vadd.f32 v0, v12;
	v18 =	vld [tilespmem:s22+$0xFFFFFFC0];
	v13 =	vmul.f32 $2.333333250e+00, v13  }
0xa2: {  	v19 =	vadd.f32 v0, v5;
	v5 =	vmul.f32 $2.333333250e+00, v10;
	[tilespmem:v11+s13+$0x0] =	vst.idx.add.f32.msk $0xffff, v1  }
0xa3: {  	v12 =	vtrunc.f32 v12;
	v10 =	vadd.f32 v0, v13;
	v11 =	vmul.f32 $2.333333250e+00, v15;
	[tilespmem:v4+s13+$0x0] =	vst.idx.add.f32.msk $0xffff, v1  }
.Ltmp5:
0xa4: {  	v4 =	vadd.f32 v0, v5;
	v13 =	vmul.f32 $2.333333250e+00, v16;
	v5 =	vcvt.f32.s32 v12;
	[tilespmem:v7+s13+$0x0] =	vst.idx.add.f32.msk $0xffff, v1;
	(pc) =	sbr.rel @p0 .LBB2_5-.Ltmp5, $4  }
0xa5: {  	v12 =	vtrunc.f32 v19;
	v11 =	vadd.f32 v0, v11;
	v15 =	vmul.f32 $2.333333250e+00, v17;
	[tilespmem:v8+s13+$0x0] =	vst.idx.add.f32.msk $0xffff, v1  }
0xa6: {  	v7 =	vtrunc.f32 v10;
	v16 =	vmul.f32 $2.333333250e+00, v18;
	v13 =	vadd.f32 v0, v13;
	[tilespmem:v6+s13+$0x0] =	vst.idx.add.f32.msk $0xffff, v1  }
0xa7: {  	v8 =	vtrunc.f32 v4;
	v6 =	vtrunc.f32 v11;
	v10 =	vadd.f32 v0, v15;
	[tilespmem:v9+s13+$0x0] =	vst.idx.add.f32.msk $0xffff, v1  }
0xa8: {  	s22 =	sadd.s32 $0x80, s22;
	v4 =	vcvt.f32.s32 v12;
	v11 =	vadd.f32 v0, v16;
	v9 =	vtrunc.f32 v13;
	[tilespmem:v14+s13+$0x0] =	vst.idx.add.f32.msk $0xffff, v1  }
0xa9: {  	_ = 	snop  }
0xaa: {  	v7 =	vcvt.f32.s32 v7  }
0xab: {  	v8 =	vcvt.f32.s32 v8  }
0xac: {  	v6 =	vcvt.f32.s32 v6  }
0xad: {  	v10 =	vtrunc.f32 v10;
	[tilespmem:v5+s13+$0x0] =	vst.idx.add.f32.msk $0xffff, v1;
	v5 =	vcvt.f32.s32 v9  }
0xae: {  	v11 =	vtrunc.f32 v11;
	v63 =	vcvt.f32.s32 v10  }
0xaf: {  	[tilespmem:v4+s13+$0x0] =	vst.idx.add.f32.msk $0xffff, v1;
	v11 =	vcvt.f32.s32 v11  }
0xb0: {  	p0 =	seq.s32 s19, $0x0;
	[tilespmem:v7+s13+$0x0] =	vst.idx.add.f32.msk $0xffff, v1  }
.Ltmp6:
0xb1: {  	[tilespmem:v8+s13+$0x0] =	vst.idx.add.f32.msk $0xffff, v1;
	(pc) =	sbr.rel @p0 .LBB2_8-.Ltmp6, $4  }
0xb2: {  	[tilespmem:v6+s13+$0x0] =	vst.idx.add.f32.msk $0xffff, v1  }
0xb3: {  	[tilespmem:v5+s13+$0x0] =	vst.idx.add.f32.msk $0xffff, v1  }
0xb4: {  	[tilespmem:v63+s13+$0x0] =	vst.idx.add.f32.msk $0xffff, v1  }
0xb5: {  	[tilespmem:v11+s13+$0x0] =	vst.idx.add.f32.msk $0xffff, v1  }
0xb6: {  	v4 =	vld [tilespmem:$0x8020]  }
0xb7: {  	v5 =	vld [tilespmem:$0x8030]  }
0xb8: {  	v6 =	vld [tilespmem:$0x8041]  }
0xb9: {  	v7 =	vld [tilespmem:$0x8051]  }
0xba: {  	v8 =	vld [tilespmem:$0x8062]  }
0xbb: {  	v9 =	vld [tilespmem:$0x8072];
	v4 =	vadd.f32 $0.0e+00, v4  }
0xbc: {  	v10 =	vld [tilespmem:$0x8083];
	v5 =	vadd.f32 $0.0e+00, v5  }
0xbd: {  	v37 =	vld [tilespmem:$0x8093];
	v4 =	vadd.f32 v6, v4  }
0xbe: {  	v38 =	vld [tilespmem:$0x80A4];
	v5 =	vadd.f32 v7, v5  }
0xbf: {  	v39 =	vld [tilespmem:$0x80B4];
	v4 =	vadd.f32 v8, v4  }
0xc0: {  	v40 =	vld [tilespmem:$0x80C5];
	v5 =	vadd.f32 v9, v5  }
0xc1: {  	v41 =	vld [tilespmem:$0x80D5];
	v4 =	vadd.f32 v10, v4  }
0xc2: {  	v42 =	vld [tilespmem:$0x80E6];
	v5 =	vadd.f32 v37, v5  }
0xc3: {  	v43 =	vld [tilespmem:$0x80F6];
	v4 =	vadd.f32 v38, v4  }
0xc4: {  	v44 =	vld [tilespmem:$0x8107];
	v5 =	vadd.f32 v39, v5  }
0xc5: {  	v45 =	vld [tilespmem:$0x8117];
	v4 =	vadd.f32 v40, v4  }
0xc6: {  	v46 =	vld [tilespmem:$0x8128];
	v5 =	vadd.f32 v41, v5  }
0xc7: {  	v47 =	vld [tilespmem:$0x8138];
	v4 =	vadd.f32 v42, v4  }
0xc8: {  	v48 =	vld [tilespmem:$0x8149];
	v5 =	vadd.f32 v43, v5  }
0xc9: {  	v49 =	vld [tilespmem:$0x8159];
	v4 =	vadd.f32 v44, v4  }
0xca: {  	v50 =	vld [tilespmem:$0x816A];
	v5 =	vadd.f32 v45, v5  }
0xcb: {  	v51 =	vld [tilespmem:$0x817A];
	v4 =	vadd.f32 v46, v4  }
0xcc: {  	v52 =	vld [tilespmem:$0x818B];
	v5 =	vadd.f32 v47, v5  }
0xcd: {  	v53 =	vld [tilespmem:$0x819B];
	v4 =	vadd.f32 v48, v4  }
0xce: {  	v54 =	vld [tilespmem:$0x81AC];
	v5 =	vadd.f32 v49, v5  }
0xcf: {  	v55 =	vld [tilespmem:$0x81BC];
	v4 =	vadd.f32 v50, v4  }
0xd0: {  	v56 =	vld [tilespmem:$0x81CD];
	v5 =	vadd.f32 v51, v5  }
0xd1: {  	v57 =	vld [tilespmem:$0x81DD];
	v4 =	vadd.f32 v52, v4  }
0xd2: {  	v58 =	vld [tilespmem:$0x81EE];
	v5 =	vadd.f32 v53, v5  }
0xd3: {  	v59 =	vld [tilespmem:$0x81FE];
	v4 =	vadd.f32 v54, v4  }
0xd4: {  	v60 =	vld [tilespmem:$0x820F];
	v5 =	vadd.f32 v55, v5  }
0xd5: {  	v61 =	vld [tilespmem:$0x821F];
	s18 =	sshll.u32 s18, $0x5;
	v4 =	vadd.f32 v56, v4  }
0xd6: {  	v62 =	vor.u32 s18, v2;
	v5 =	vadd.f32 v57, v5  }
0xd7: {  	v63 =	vor.u32 s18, v3;
	v4 =	vadd.f32 v58, v4  }
.Ltmp7:
0xd8: {  	v5 =	vadd.f32 v59, v5;
	(pc) =	sbr.rel .LBB2_8-.Ltmp7, $4  }
0xd9: {  	v4 =	vadd.f32 v60, v4  }
0xda: {  	v5 =	vadd.f32 v61, v5  }
0xdb: {  	[tilespmem:v62+s15+$0x0] =	vst.idx.msk $0xffff, v4  }
0xdc: {  	[tilespmem:v63+s15+$0x0] =	vst.idx.msk $0xffff, v5  }
.LBB2_10:
0xdd: {  	_ =	sfence.sel $0x180000  }
0xde: {  	[bflag:$0x0] =	sbarrier.arrive $0xFFFF  }
0xdf: {  	p0 =	sne.s32 s0, $0x0;
	_ =	strace $0x90000047  }
0xe0: {  	s0 =	sadd.s32 @!p0 $0x100000, s2;
	[bflag:$0x2] =	sbarrier.arrive $0xFFFF  }
0xe1: {  	[sflag:s0] =	ssyncadd.tile.s32 @!p0 $0x1;
	_ =	shalt  }
.Lfunc_end2:
_tile_overlayer_lowered:
.L_overlay_start_2:
0xe2: {  	(tag) =	ssettag $0x2  }
0xe3: {  	s0 =	rddreg [dreg:$0x0];
	s2 =	stileid.u32  }
0xe4: {  	s1 =	rddreg [dreg:$0x1];
	p0 =	sne.s32 s2, $0x0  }
0xe5: {  	s3 =	rddreg [dreg:$0x2];
	[bflag:$0x3] =	sbarrier.arrive $0xFFFF;
	s2 =	simm.s32 @!p0 $0x1C03  }
0xe6: {  	[timem:s3], [sflag:s2] =	dma.local @!p0 [hbm:s0], s1  }
0xe7: {  	s0 =	simm.s32 @!p0 $0x3  }
0xe8: {  	_ =	swait.ge @!p0 [sflag:s0], s1  }
0xe9: {  	s1 =	ssub.s32 @!p0 $0x0, s1;
	[sflag:s0] =	ssyncset.done @!p0 $0x0  }
0xea: {  	[sflag:s0] =	ssyncadd.s32 @!p0 s1  }
0xeb: {  	[bflag:$0x3] =	sbarrier.arrive $0xFFFF  }
0xec: {  	_ =	shalt  }

</sc_bundles>
